<compile_context>
chip_gen: v7x
topology: tpu7x:2x2x1
jax: 0.10.2.dev20260603
libtpu: 0.0.44.dev20260713+nightly
codegen_flags: <defaults>
</compile_context>

<pallas_src>
import functools

import jax
import jax.numpy as jnp
from jax import lax
from jax.experimental import pallas as pl
from jax.experimental.pallas import tpu as pltpu
from jax.experimental.pallas import tpu_sc as plsc

SMOOTH = 0.1
PAD = 0
CONF = 1.0 - SMOOTH

BR = 256
BC = 8192
LN = 128

_SC_NC = 2
_SC_NS = 16
_SC_L = 16


def _sc_gather_kernel(table_ref, cidx_ref, out_ref, cidx_v, rows_v, sem,
                      *, bpw):
    wid = lax.axis_index("s") * _SC_NC + lax.axis_index("c")
    base = wid * bpw
    pltpu.sync_copy(cidx_ref.at[pl.ds(base, bpw)], cidx_v)
    pltpu.async_copy(table_ref.at[cidx_v], rows_v, sem).wait()
    pltpu.sync_copy(rows_v, out_ref.at[pl.ds(base, bpw)])


def _sc_gather(x, y):
    b, c = x.shape
    cpr = c // _SC_L
    table = x.reshape(b * cpr, _SC_L)
    flat = jnp.arange(b, dtype=jnp.int32) * cpr + (y // _SC_L)
    nw = _SC_NC * _SC_NS
    bpw = b // nw
    mesh = plsc.VectorSubcoreMesh(core_axis_name="c", subcore_axis_name="s")
    return pl.kernel(
        functools.partial(_sc_gather_kernel, bpw=bpw),
        mesh=mesh,
        out_type=jax.ShapeDtypeStruct((b, _SC_L), jnp.float32),
        scratch_types=[
            pltpu.VMEM((bpw,), jnp.int32),
            pltpu.VMEM((bpw, _SC_L), jnp.float32),
            pltpu.SemaphoreType.DMA,
        ],
        compiler_params=pltpu.CompilerParams(use_tc_tiling_on_sc=False),
    )(table, flat)


def _loss_kernel(x_ref, y_ref, xc_ref, out_ref, m_s, s_s, rs_s, x0_s,
                 *, c, ncb):
    j = pl.program_id(1)

    @pl.when(j == 0)
    def _init():
        s_s[...] = jnp.zeros_like(s_s)
        rs_s[...] = jnp.zeros_like(rs_s)
        m_s[...] = jnp.full_like(m_s, -jnp.inf)
        x0_s[...] = x_ref[:, 0:1]

    lane = jax.lax.broadcasted_iota(jnp.int32, (BR, LN), 1)

    def block(nch, tail):
        bm = x_ref[:, 0:LN]
        for k in range(1, nch):
            bm = jnp.maximum(bm, x_ref[:, k * LN:(k + 1) * LN])
        if tail:
            tl = jnp.where(lane < tail,
                           x_ref[:, nch * LN:(nch + 1) * LN], -jnp.inf)
            bm = jnp.maximum(bm, tl)
        new_m = jnp.maximum(m_s[...], bm)
        s_s[...] = s_s[...] * jnp.exp(m_s[...] - new_m)
        m_s[...] = new_m

        se = s_s[...]
        rs = rs_s[...]
        for k in range(nch + (1 if tail else 0)):
            raw = x_ref[:, k * LN:(k + 1) * LN]
            if k == nch:
                ch_e = jnp.where(lane < tail, raw, -jnp.inf)
                ch_z = jnp.where(lane < tail, raw, 0.0)
            else:
                ch_e = ch_z = raw
            se = se + jnp.exp(ch_e - new_m)
            rs = rs + ch_z
        s_s[...] = se
        rs_s[...] = rs

    @pl.when(j < ncb - 1)
    def _full():
        block(BC // LN, 0)

    @pl.when(j == ncb - 1)
    def _partial():
        rem = c - (ncb - 1) * BC
        block(rem // LN, rem % LN)

        eps = SMOOTH / (c - 2)
        k_const = SMOOTH * jnp.log(jnp.float32(eps)) + CONF * jnp.log(
            jnp.float32(CONF))
        mm = m_s[...]
        big_m = jnp.max(mm, axis=1, keepdims=True)
        s = jnp.sum(s_s[...] * jnp.exp(mm - big_m), axis=1, keepdims=True)
        lse = big_m + jnp.log(s)
        yv = y_ref[...]

        l16 = jax.lax.broadcasted_iota(jnp.int32, (BR, _SC_L), 1)
        xyv = jnp.sum(jnp.where(l16 == yv % _SC_L, xc_ref[...], 0.0),
                      axis=1, keepdims=True)
        rowsum = jnp.sum(rs_s[...], axis=1, keepdims=True)
        rest = rowsum - x0_s[...] - xyv - (c - 2) * lse
        row = k_const - eps * rest - CONF * (xyv - lse)
        row = jnp.where(yv != PAD, row, 0.0)
        out_ref[...] = jnp.sum(row, keepdims=True)[None]


@jax.jit
def kernel(x, y):
    b, c = x.shape
    ncb = pl.cdiv(c, BC)
    nrb = b // BR
    y2 = y.astype(jnp.int32).reshape(b, 1)
    xc = _sc_gather(x, y.astype(jnp.int32))
    parts = pl.pallas_call(
        functools.partial(_loss_kernel, c=c, ncb=ncb),
        grid=(nrb, ncb),
        in_specs=[
            pl.BlockSpec((BR, BC), lambda i, j: (i, j)),
            pl.BlockSpec((BR, 1), lambda i, j: (i, 0)),
            pl.BlockSpec((BR, _SC_L), lambda i, j: (i, 0)),
        ],
        out_specs=pl.BlockSpec((1, 1, 1), lambda i, j: (i, 0, 0)),
        out_shape=jax.ShapeDtypeStruct((nrb, 1, 1), jnp.float32),
        scratch_shapes=[
            pltpu.VMEM((BR, LN), jnp.float32),
            pltpu.VMEM((BR, LN), jnp.float32),
            pltpu.VMEM((BR, LN), jnp.float32),
            pltpu.VMEM((BR, 1), jnp.float32),
        ],
        compiler_params=pltpu.CompilerParams(
            dimension_semantics=("parallel", "arbitrary")),
    )(x, y2, xc)
    return jnp.sum(parts)

# --- scband reference (transcript-rebuilt; emitter-appended) ---
"""Pipeline reference for scband-label-smoothing-13632226197939 (READ-ONLY COPY).

The authoritative reference and input builder live on the scoring server;
editing this copy changes nothing except your own understanding.
"""

import jax, jax.numpy as jnp
import numpy as np

SMOOTHNESS = 0.1
PAD_IDX = 0
CONFIDENCE = 1.0 - SMOOTHNESS


def setup_inputs(seed: int = 0) -> dict:
    key = jax.random.key(seed)
    k1, k2 = jax.random.split(key)
    b, c = 2048, 100000
    x = jax.random.normal(k1, (b, c), dtype=jnp.float32)
    y = jax.random.randint(k2, (b,), 0, c, dtype=jnp.int64 if jax.config.jax_enable_x64 else jnp.int32)
    return {"x": x, "y": y}


def reference(x, y):
    b, c = x.shape
    # build smoothed target distribution
    td = jnp.full((b, c), SMOOTHNESS / (c - 2), dtype=x.dtype)
    td = td.at[jnp.arange(b), y].set(CONFIDENCE)
    td = td.at[:, PAD_IDX].set(0.0)
    td = jnp.where((y == PAD_IDX)[:, None], 0.0, td)
    logp = jax.nn.log_softmax(x, axis=-1)
    # KLDivLoss(reduction='sum'): sum td * (log(td) - logp), with 0*log(0)=0
    safe_td = jnp.where(td > 0, td, 1.0)
    loss = jnp.sum(jnp.where(td > 0, td * (jnp.log(safe_td) - logp), 0.0))
    return loss

if __name__ == "__main__":
    import jax
    _d = setup_inputs()
    print(jax.jit(kernel)(*tuple(_d.values())))

</pallas_src>

<mosaic_0001>
#map = affine_map<(d0, d1) -> (0, 0)>
#map1 = affine_map<(d0, d1) -> (0)>
module attributes {stable_mosaic.version = 14 : i64} {
  func.func @_sc_gather_kernel(%arg0: i32, %arg1: i32, %arg2: memref<12800000x16xf32, #tpu.memory_space<hbm>>, %arg3: memref<2048xi32, #tpu.memory_space<hbm>>, %arg4: memref<2048x16xf32, #tpu.memory_space<hbm>>, %arg5: memref<64xi32, #tpu.memory_space<vmem>>, %arg6: memref<64x16xf32, #tpu.memory_space<vmem>>, %arg7: memref<!tpu.dma_semaphore, #tpu.memory_space<semaphore_mem>>) attributes {dimension_semantics = [#tpu.dimension_semantics<core_parallel>, #tpu.dimension_semantics<subcore_parallel>], iteration_bounds = array<i64: 2, 16>, scalar_prefetch = 0 : i64, scratch_operands = 3 : i64, tpu.core_type = #tpu.core_type<sc_vector_subcore>, window_params = [{transform_indices = #map}, {transform_indices = #map1}, {transform_indices = #map}]} {
    %mul3A = arith.constant 2 : i32
    %mul3A_0 = arith.muli %arg1, %mul3A : i32
    %add3A = arith.addi %mul3A_0, %arg0 : i32
    %mul3A_1 = arith.constant 64 : i32
    %mul3A_2 = arith.muli %add3A, %mul3A_1 : i32
    "tpu.region"() ({
      %run_scoped3A = tpu.sem_alloc : memref<!tpu.dma_semaphore, #tpu.memory_space<semaphore_mem>>
      %dma_start3A_7 = tpu.memref_slice %arg3[%mul3A_2] : memref<2048xi32, #tpu.memory_space<hbm>> -> memref<64xi32, #tpu.memory_space<hbm>>
      %dma_start3A_8 = tpu.memref_slice %arg3[%mul3A_2] : memref<2048xi32, #tpu.memory_space<hbm>> -> memref<64xi32, #tpu.memory_space<hbm>>
      tpu.enqueue_dma source(%dma_start3A_8 : memref<64xi32, #tpu.memory_space<hbm>>) target(%arg5 : memref<64xi32, #tpu.memory_space<vmem>>) target_semaphore(%run_scoped3A : memref<!tpu.dma_semaphore, #tpu.memory_space<semaphore_mem>>)
      %dma_wait3A_9 = tpu.memref_slice %arg3[%mul3A_2] : memref<2048xi32, #tpu.memory_space<hbm>> -> memref<64xi32, #tpu.memory_space<hbm>>
      %dma_wait3A_10 = tpu.memref_slice %arg3[%mul3A_2] : memref<2048xi32, #tpu.memory_space<hbm>> -> memref<64xi32, #tpu.memory_space<hbm>>
      tpu.wait_dma2 semaphore(%run_scoped3A : memref<!tpu.dma_semaphore, #tpu.memory_space<semaphore_mem>>) src(%dma_wait3A_10 : memref<64xi32, #tpu.memory_space<hbm>>) dst(%arg5 : memref<64xi32, #tpu.memory_space<vmem>>)
      tpu.yield
    }) : () -> ()
    %dma_start3A = arith.constant 0 : i32
    %dma_start3A_3 = arith.constant 0 : i32
    %dma_start3A_4 = tpu.memref_slice %arg2[%dma_start3A, %dma_start3A_3] : memref<12800000x16xf32, #tpu.memory_space<hbm>> -> memref<12800000x16xf32, #tpu.memory_space<hbm>>
    tpu.enqueue_indirect_dma source(%dma_start3A_4 : memref<12800000x16xf32, #tpu.memory_space<hbm>>) target(%arg6 : memref<64x16xf32, #tpu.memory_space<vmem>>) offsets(%arg5 : memref<64xi32, #tpu.memory_space<vmem>>) semaphore(%arg7 : memref<!tpu.dma_semaphore, #tpu.memory_space<semaphore_mem>>)
    %dma_wait3A = arith.constant 0 : i32
    %dma_wait3A_5 = arith.constant 0 : i32
    %dma_wait3A_6 = tpu.memref_slice %arg2[%dma_wait3A, %dma_wait3A_5] : memref<12800000x16xf32, #tpu.memory_space<hbm>> -> memref<12800000x16xf32, #tpu.memory_space<hbm>>
    tpu.wait_indirect_dma semaphore(%arg7 : memref<!tpu.dma_semaphore, #tpu.memory_space<semaphore_mem>>) src(%dma_wait3A_6 : memref<12800000x16xf32, #tpu.memory_space<hbm>>) dst(%arg6 : memref<64x16xf32, #tpu.memory_space<vmem>>)
    "tpu.region"() ({
      %run_scoped3A = tpu.sem_alloc : memref<!tpu.dma_semaphore, #tpu.memory_space<semaphore_mem>>
      %dma_start3A_7 = arith.constant 0 : i32
      %dma_start3A_8 = tpu.memref_slice %arg4[%mul3A_2, %dma_start3A_7] : memref<2048x16xf32, #tpu.memory_space<hbm>> -> memref<64x16xf32, #tpu.memory_space<hbm>>
      %dma_start3A_9 = arith.constant 0 : i32
      %dma_start3A_10 = tpu.memref_slice %arg4[%mul3A_2, %dma_start3A_9] : memref<2048x16xf32, #tpu.memory_space<hbm>> -> memref<64x16xf32, #tpu.memory_space<hbm>>
      tpu.enqueue_dma source(%arg6 : memref<64x16xf32, #tpu.memory_space<vmem>>) target(%dma_start3A_10 : memref<64x16xf32, #tpu.memory_space<hbm>>) target_semaphore(%run_scoped3A : memref<!tpu.dma_semaphore, #tpu.memory_space<semaphore_mem>>)
      %dma_wait3A_11 = arith.constant 0 : i32
      %dma_wait3A_12 = tpu.memref_slice %arg4[%mul3A_2, %dma_wait3A_11] : memref<2048x16xf32, #tpu.memory_space<hbm>> -> memref<64x16xf32, #tpu.memory_space<hbm>>
      %dma_wait3A_13 = arith.constant 0 : i32
      %dma_wait3A_14 = tpu.memref_slice %arg4[%mul3A_2, %dma_wait3A_13] : memref<2048x16xf32, #tpu.memory_space<hbm>> -> memref<64x16xf32, #tpu.memory_space<hbm>>
      tpu.wait_dma2 semaphore(%run_scoped3A : memref<!tpu.dma_semaphore, #tpu.memory_space<semaphore_mem>>) src(%arg6 : memref<64x16xf32, #tpu.memory_space<vmem>>) dst(%dma_wait3A_14 : memref<64x16xf32, #tpu.memory_space<hbm>>)
      tpu.yield
    }) : () -> ()
    return
  }
}

module attributes {stable_mosaic.version = 14 : i64} {
  func.func @_loss_kernel(%arg0: i32, %arg1: i32, %arg2: memref<256x8192xf32, #tpu.memory_space<vmem>>, %arg3: memref<256x1xi32, #tpu.memory_space<vmem>>, %arg4: memref<256x16xf32, #tpu.memory_space<vmem>>, %arg5: memref<1x1x1xf32, #tpu.memory_space<vmem>>, %arg6: memref<256x128xf32, #tpu.memory_space<vmem>>, %arg7: memref<256x128xf32, #tpu.memory_space<vmem>>, %arg8: memref<256x128xf32, #tpu.memory_space<vmem>>, %arg9: memref<256x1xf32, #tpu.memory_space<vmem>>) attributes {dimension_semantics = [#tpu.dimension_semantics<parallel>, #tpu.dimension_semantics<arbitrary>], iteration_bounds = array<i64: 8, 13>, scalar_prefetch = 0 : i64, scratch_operands = 4 : i64, tpu.core_type = #tpu.core_type<tc>, window_params = [{transform_indices = @transform_0, window_bounds = array<i64: 256, 8192>}, {transform_indices = @transform_1, window_bounds = array<i64: 256, 1>}, {transform_indices = @transform_2, window_bounds = array<i64: 256, 16>}, {transform_indices = @transform_3, window_bounds = array<i64: 1, 1, 1>}]} {
    %eq3A = arith.constant 0 : i32
    %eq3A_0 = arith.cmpi eq, %arg1, %eq3A : i32
    %convert_element_type3A = arith.extui %eq3A_0 : i1 to i32
    %cond3A = arith.constant 0 : i32
    %cond3A_1 = arith.cmpi ne, %convert_element_type3A, %cond3A : i32
    scf.if %cond3A_1 {
      %broadcast_in_dim3A = arith.constant 0.000000e+00 : f32
      %broadcast_in_dim3A_11 = vector.broadcast %broadcast_in_dim3A : f32 to vector<256x128xf32>
      %swap3A = arith.constant 0 : index
      %swap3A_12 = arith.constant 0 : index
      %swap3A_13 = vector.load %arg7[%swap3A, %swap3A_12] : memref<256x128xf32, #tpu.memory_space<vmem>>, vector<256x128xf32>
      tpu.vector_store %arg7[%swap3A, %swap3A_12], %broadcast_in_dim3A_11 {strides = array<i32>} : memref<256x128xf32, #tpu.memory_space<vmem>>, vector<256x128xf32>,
      %broadcast_in_dim3A_14 = arith.constant 0.000000e+00 : f32
      %broadcast_in_dim3A_15 = vector.broadcast %broadcast_in_dim3A_14 : f32 to vector<256x128xf32>
      %swap3A_16 = arith.constant 0 : index
      %swap3A_17 = arith.constant 0 : index
      %swap3A_18 = vector.load %arg8[%swap3A_16, %swap3A_17] : memref<256x128xf32, #tpu.memory_space<vmem>>, vector<256x128xf32>
      tpu.vector_store %arg8[%swap3A_16, %swap3A_17], %broadcast_in_dim3A_15 {strides = array<i32>} : memref<256x128xf32, #tpu.memory_space<vmem>>, vector<256x128xf32>,
      %broadcast_in_dim3A_19 = arith.constant 0xFF800000 : f32
      %broadcast_in_dim3A_20 = vector.broadcast %broadcast_in_dim3A_19 : f32 to vector<256x128xf32>
      %swap3A_21 = arith.constant 0 : index
      %swap3A_22 = arith.constant 0 : index
      %swap3A_23 = vector.load %arg6[%swap3A_21, %swap3A_22] : memref<256x128xf32, #tpu.memory_space<vmem>>, vector<256x128xf32>
      tpu.vector_store %arg6[%swap3A_21, %swap3A_22], %broadcast_in_dim3A_20 {strides = array<i32>} : memref<256x128xf32, #tpu.memory_space<vmem>>, vector<256x128xf32>,
      %get3A = arith.constant 0 : index
      %get3A_24 = arith.constant 0 : index
      %get3A_25 = vector.load %arg2[%get3A, %get3A_24] : memref<256x8192xf32, #tpu.memory_space<vmem>>, vector<256x1xf32>
      %swap3A_26 = arith.constant 0 : index
      %swap3A_27 = arith.constant 0 : index
      %swap3A_28 = vector.load %arg9[%swap3A_26, %swap3A_27] : memref<256x1xf32, #tpu.memory_space<vmem>>, vector<256x1xf32>
      tpu.vector_store %arg9[%swap3A_26, %swap3A_27], %get3A_25 {strides = array<i32>} : memref<256x1xf32, #tpu.memory_space<vmem>>, vector<256x1xf32>,
    } else {
    }
    %iota3A = tpu.iota {dimensions = array<i32: 1>} : vector<256x128xi32>
    %lt3A = arith.constant 12 : i32
    %lt3A_2 = arith.cmpi slt, %arg1, %lt3A : i32
    %convert_element_type3A_3 = arith.extui %lt3A_2 : i1 to i32
    %cond3A_4 = arith.constant 0 : i32
    %cond3A_5 = arith.cmpi ne, %convert_element_type3A_3, %cond3A_4 : i32
    scf.if %cond3A_5 {
      %get3A = arith.constant 0 : index
      %get3A_11 = arith.constant 0 : index
      %get3A_12 = vector.load %arg2[%get3A, %get3A_11] : memref<256x8192xf32, #tpu.memory_space<vmem>>, vector<256x128xf32>
      %get3A_13 = arith.constant 0 : index
      %get3A_14 = arith.constant 128 : index
      %get3A_15 = vector.load %arg2[%get3A_13, %get3A_14] : memref<256x8192xf32, #tpu.memory_space<vmem>>, vector<256x128xf32>
      %max3A = arith.maximumf %get3A_12, %get3A_15 : vector<256x128xf32>
      %get3A_16 = arith.constant 0 : index
      %get3A_17 = arith.constant 256 : index
      %get3A_18 = vector.load %arg2[%get3A_16, %get3A_17] : memref<256x8192xf32, #tpu.memory_space<vmem>>, vector<256x128xf32>
      %max3A_19 = arith.maximumf %max3A, %get3A_18 : vector<256x128xf32>
      %get3A_20 = arith.constant 0 : index
      %get3A_21 = arith.constant 384 : index
      %get3A_22 = vector.load %arg2[%get3A_20, %get3A_21] : memref<256x8192xf32, #tpu.memory_space<vmem>>, vector<256x128xf32>
      %max3A_23 = arith.maximumf %max3A_19, %get3A_22 : vector<256x128xf32>
      %get3A_24 = arith.constant 0 : index
      %get3A_25 = arith.constant 512 : index
      %get3A_26 = vector.load %arg2[%get3A_24, %get3A_25] : memref<256x8192xf32, #tpu.memory_space<vmem>>, vector<256x128xf32>
      %max3A_27 = arith.maximumf %max3A_23, %get3A_26 : vector<256x128xf32>
      %get3A_28 = arith.constant 0 : index
      %get3A_29 = arith.constant 640 : index
      %get3A_30 = vector.load %arg2[%get3A_28, %get3A_29] : memref<256x8192xf32, #tpu.memory_space<vmem>>, vector<256x128xf32>
      %max3A_31 = arith.maximumf %max3A_27, %get3A_30 : vector<256x128xf32>
      %get3A_32 = arith.constant 0 : index
      %get3A_33 = arith.constant 768 : index
      %get3A_34 = vector.load %arg2[%get3A_32, %get3A_33] : memref<256x8192xf32, #tpu.memory_space<vmem>>, vector<256x128xf32>
      %max3A_35 = arith.maximumf %max3A_31, %get3A_34 : vector<256x128xf32>
      %get3A_36 = arith.constant 0 : index
      %get3A_37 = arith.constant 896 : index
      %get3A_38 = vector.load %arg2[%get3A_36, %get3A_37] : memref<256x8192xf32, #tpu.memory_space<vmem>>, vector<256x128xf32>
      %max3A_39 = arith.maximumf %max3A_35, %get3A_38 : vector<256x128xf32>
      %get3A_40 = arith.constant 0 : index
      %get3A_41 = arith.constant 1024 : index
      %get3A_42 = vector.load %arg2[%get3A_40, %get3A_41] : memref<256x8192xf32, #tpu.memory_space<vmem>>, vector<256x128xf32>
      %max3A_43 = arith.maximumf %max3A_39, %get3A_42 : vector<256x128xf32>
      %get3A_44 = arith.constant 0 : index
      %get3A_45 = arith.constant 1152 : index
      %get3A_46 = vector.load %arg2[%get3A_44, %get3A_45] : memref<256x8192xf32, #tpu.memory_space<vmem>>, vector<256x128xf32>
      %max3A_47 = arith.maximumf %max3A_43, %get3A_46 : vector<256x128xf32>
      %get3A_48 = arith.constant 0 : index
      %get3A_49 = arith.constant 1280 : index
      %get3A_50 = vector.load %arg2[%get3A_48, %get3A_49] : memref<256x8192xf32, #tpu.memory_space<vmem>>, vector<256x128xf32>
      %max3A_51 = arith.maximumf %max3A_47, %get3A_50 : vector<256x128xf32>
      %get3A_52 = arith.constant 0 : index
      %get3A_53 = arith.constant 1408 : index
      %get3A_54 = vector.load %arg2[%get3A_52, %get3A_53] : memref<256x8192xf32, #tpu.memory_space<vmem>>, vector<256x128xf32>
      %max3A_55 = arith.maximumf %max3A_51, %get3A_54 : vector<256x128xf32>
      %get3A_56 = arith.constant 0 : index
      %get3A_57 = arith.constant 1536 : index
      %get3A_58 = vector.load %arg2[%get3A_56, %get3A_57] : memref<256x8192xf32, #tpu.memory_space<vmem>>, vector<256x128xf32>
      %max3A_59 = arith.maximumf %max3A_55, %get3A_58 : vector<256x128xf32>
      %get3A_60 = arith.constant 0 : index
      %get3A_61 = arith.constant 1664 : index
      %get3A_62 = vector.load %arg2[%get3A_60, %get3A_61] : memref<256x8192xf32, #tpu.memory_space<vmem>>, vector<256x128xf32>
      %max3A_63 = arith.maximumf %max3A_59, %get3A_62 : vector<256x128xf32>
      %get3A_64 = arith.constant 0 : index
      %get3A_65 = arith.constant 1792 : index
      %get3A_66 = vector.load %arg2[%get3A_64, %get3A_65] : memref<256x8192xf32, #tpu.memory_space<vmem>>, vector<256x128xf32>
      %max3A_67 = arith.maximumf %max3A_63, %get3A_66 : vector<256x128xf32>
      %get3A_68 = arith.constant 0 : index
      %get3A_69 = arith.constant 1920 : index
      %get3A_70 = vector.load %arg2[%get3A_68, %get3A_69] : memref<256x8192xf32, #tpu.memory_space<vmem>>, vector<256x128xf32>
      %max3A_71 = arith.maximumf %max3A_67, %get3A_70 : vector<256x128xf32>
      %get3A_72 = arith.constant 0 : index
      %get3A_73 = arith.constant 2048 : index
      %get3A_74 = vector.load %arg2[%get3A_72, %get3A_73] : memref<256x8192xf32, #tpu.memory_space<vmem>>, vector<256x128xf32>
      %max3A_75 = arith.maximumf %max3A_71, %get3A_74 : vector<256x128xf32>
      %get3A_76 = arith.constant 0 : index
      %get3A_77 = arith.constant 2176 : index
      %get3A_78 = vector.load %arg2[%get3A_76, %get3A_77] : memref<256x8192xf32, #tpu.memory_space<vmem>>, vector<256x128xf32>
      %max3A_79 = arith.maximumf %max3A_75, %get3A_78 : vector<256x128xf32>
      %get3A_80 = arith.constant 0 : index
      %get3A_81 = arith.constant 2304 : index
      %get3A_82 = vector.load %arg2[%get3A_80, %get3A_81] : memref<256x8192xf32, #tpu.memory_space<vmem>>, vector<256x128xf32>
      %max3A_83 = arith.maximumf %max3A_79, %get3A_82 : vector<256x128xf32>
      %get3A_84 = arith.constant 0 : index
      %get3A_85 = arith.constant 2432 : index
      %get3A_86 = vector.load %arg2[%get3A_84, %get3A_85] : memref<256x8192xf32, #tpu.memory_space<vmem>>, vector<256x128xf32>
      %max3A_87 = arith.maximumf %max3A_83, %get3A_86 : vector<256x128xf32>
      %get3A_88 = arith.constant 0 : index
      %get3A_89 = arith.constant 2560 : index
      %get3A_90 = vector.load %arg2[%get3A_88, %get3A_89] : memref<256x8192xf32, #tpu.memory_space<vmem>>, vector<256x128xf32>
      %max3A_91 = arith.maximumf %max3A_87, %get3A_90 : vector<256x128xf32>
      %get3A_92 = arith.constant 0 : index
      %get3A_93 = arith.constant 2688 : index
      %get3A_94 = vector.load %arg2[%get3A_92, %get3A_93] : memref<256x8192xf32, #tpu.memory_space<vmem>>, vector<256x128xf32>
      %max3A_95 = arith.maximumf %max3A_91, %get3A_94 : vector<256x128xf32>
      %get3A_96 = arith.constant 0 : index
      %get3A_97 = arith.constant 2816 : index
      %get3A_98 = vector.load %arg2[%get3A_96, %get3A_97] : memref<256x8192xf32, #tpu.memory_space<vmem>>, vector<256x128xf32>
      %max3A_99 = arith.maximumf %max3A_95, %get3A_98 : vector<256x128xf32>
      %get3A_100 = arith.constant 0 : index
      %get3A_101 = arith.constant 2944 : index
      %get3A_102 = vector.load %arg2[%get3A_100, %get3A_101] : memref<256x8192xf32, #tpu.memory_space<vmem>>, vector<256x128xf32>
      %max3A_103 = arith.maximumf %max3A_99, %get3A_102 : vector<256x128xf32>
      %get3A_104 = arith.constant 0 : index
      %get3A_105 = arith.constant 3072 : index
      %get3A_106 = vector.load %arg2[%get3A_104, %get3A_105] : memref<256x8192xf32, #tpu.memory_space<vmem>>, vector<256x128xf32>
      %max3A_107 = arith.maximumf %max3A_103, %get3A_106 : vector<256x128xf32>
      %get3A_108 = arith.constant 0 : index
      %get3A_109 = arith.constant 3200 : index
      %get3A_110 = vector.load %arg2[%get3A_108, %get3A_109] : memref<256x8192xf32, #tpu.memory_space<vmem>>, vector<256x128xf32>
      %max3A_111 = arith.maximumf %max3A_107, %get3A_110 : vector<256x128xf32>
      %get3A_112 = arith.constant 0 : index
      %get3A_113 = arith.constant 3328 : index
      %get3A_114 = vector.load %arg2[%get3A_112, %get3A_113] : memref<256x8192xf32, #tpu.memory_space<vmem>>, vector<256x128xf32>
      %max3A_115 = arith.maximumf %max3A_111, %get3A_114 : vector<256x128xf32>
      %get3A_116 = arith.constant 0 : index
      %get3A_117 = arith.constant 3456 : index
      %get3A_118 = vector.load %arg2[%get3A_116, %get3A_117] : memref<256x8192xf32, #tpu.memory_space<vmem>>, vector<256x128xf32>
      %max3A_119 = arith.maximumf %max3A_115, %get3A_118 : vector<256x128xf32>
      %get3A_120 = arith.constant 0 : index
      %get3A_121 = arith.constant 3584 : index
      %get3A_122 = vector.load %arg2[%get3A_120, %get3A_121] : memref<256x8192xf32, #tpu.memory_space<vmem>>, vector<256x128xf32>
      %max3A_123 = arith.maximumf %max3A_119, %get3A_122 : vector<256x128xf32>
      %get3A_124 = arith.constant 0 : index
      %get3A_125 = arith.constant 3712 : index
      %get3A_126 = vector.load %arg2[%get3A_124, %get3A_125] : memref<256x8192xf32, #tpu.memory_space<vmem>>, vector<256x128xf32>
      %max3A_127 = arith.maximumf %max3A_123, %get3A_126 : vector<256x128xf32>
      %get3A_128 = arith.constant 0 : index
      %get3A_129 = arith.constant 3840 : index
      %get3A_130 = vector.load %arg2[%get3A_128, %get3A_129] : memref<256x8192xf32, #tpu.memory_space<vmem>>, vector<256x128xf32>
      %max3A_131 = arith.maximumf %max3A_127, %get3A_130 : vector<256x128xf32>
      %get3A_132 = arith.constant 0 : index
      %get3A_133 = arith.constant 3968 : index
      %get3A_134 = vector.load %arg2[%get3A_132, %get3A_133] : memref<256x8192xf32, #tpu.memory_space<vmem>>, vector<256x128xf32>
      %max3A_135 = arith.maximumf %max3A_131, %get3A_134 : vector<256x128xf32>
      %get3A_136 = arith.constant 0 : index
      %get3A_137 = arith.constant 4096 : index
      %get3A_138 = vector.load %arg2[%get3A_136, %get3A_137] : memref<256x8192xf32, #tpu.memory_space<vmem>>, vector<256x128xf32>
      %max3A_139 = arith.maximumf %max3A_135, %get3A_138 : vector<256x128xf32>
      %get3A_140 = arith.constant 0 : index
      %get3A_141 = arith.constant 4224 : index
      %get3A_142 = vector.load %arg2[%get3A_140, %get3A_141] : memref<256x8192xf32, #tpu.memory_space<vmem>>, vector<256x128xf32>
      %max3A_143 = arith.maximumf %max3A_139, %get3A_142 : vector<256x128xf32>
      %get3A_144 = arith.constant 0 : index
      %get3A_145 = arith.constant 4352 : index
      %get3A_146 = vector.load %arg2[%get3A_144, %get3A_145] : memref<256x8192xf32, #tpu.memory_space<vmem>>, vector<256x128xf32>
      %max3A_147 = arith.maximumf %max3A_143, %get3A_146 : vector<256x128xf32>
      %get3A_148 = arith.constant 0 : index
      %get3A_149 = arith.constant 4480 : index
      %get3A_150 = vector.load %arg2[%get3A_148, %get3A_149] : memref<256x8192xf32, #tpu.memory_space<vmem>>, vector<256x128xf32>
      %max3A_151 = arith.maximumf %max3A_147, %get3A_150 : vector<256x128xf32>
      %get3A_152 = arith.constant 0 : index
      %get3A_153 = arith.constant 4608 : index
      %get3A_154 = vector.load %arg2[%get3A_152, %get3A_153] : memref<256x8192xf32, #tpu.memory_space<vmem>>, vector<256x128xf32>
      %max3A_155 = arith.maximumf %max3A_151, %get3A_154 : vector<256x128xf32>
      %get3A_156 = arith.constant 0 : index
      %get3A_157 = arith.constant 4736 : index
      %get3A_158 = vector.load %arg2[%get3A_156, %get3A_157] : memref<256x8192xf32, #tpu.memory_space<vmem>>, vector<256x128xf32>
      %max3A_159 = arith.maximumf %max3A_155, %get3A_158 : vector<256x128xf32>
      %get3A_160 = arith.constant 0 : index
      %get3A_161 = arith.constant 4864 : index
      %get3A_162 = vector.load %arg2[%get3A_160, %get3A_161] : memref<256x8192xf32, #tpu.memory_space<vmem>>, vector<256x128xf32>
      %max3A_163 = arith.maximumf %max3A_159, %get3A_162 : vector<256x128xf32>
      %get3A_164 = arith.constant 0 : index
      %get3A_165 = arith.constant 4992 : index
      %get3A_166 = vector.load %arg2[%get3A_164, %get3A_165] : memref<256x8192xf32, #tpu.memory_space<vmem>>, vector<256x128xf32>
      %max3A_167 = arith.maximumf %max3A_163, %get3A_166 : vector<256x128xf32>
      %get3A_168 = arith.constant 0 : index
      %get3A_169 = arith.constant 5120 : index
      %get3A_170 = vector.load %arg2[%get3A_168, %get3A_169] : memref<256x8192xf32, #tpu.memory_space<vmem>>, vector<256x128xf32>
      %max3A_171 = arith.maximumf %max3A_167, %get3A_170 : vector<256x128xf32>
      %get3A_172 = arith.constant 0 : index
      %get3A_173 = arith.constant 5248 : index
      %get3A_174 = vector.load %arg2[%get3A_172, %get3A_173] : memref<256x8192xf32, #tpu.memory_space<vmem>>, vector<256x128xf32>
      %max3A_175 = arith.maximumf %max3A_171, %get3A_174 : vector<256x128xf32>
      %get3A_176 = arith.constant 0 : index
      %get3A_177 = arith.constant 5376 : index
      %get3A_178 = vector.load %arg2[%get3A_176, %get3A_177] : memref<256x8192xf32, #tpu.memory_space<vmem>>, vector<256x128xf32>
      %max3A_179 = arith.maximumf %max3A_175, %get3A_178 : vector<256x128xf32>
      %get3A_180 = arith.constant 0 : index
      %get3A_181 = arith.constant 5504 : index
      %get3A_182 = vector.load %arg2[%get3A_180, %get3A_181] : memref<256x8192xf32, #tpu.memory_space<vmem>>, vector<256x128xf32>
      %max3A_183 = arith.maximumf %max3A_179, %get3A_182 : vector<256x128xf32>
      %get3A_184 = arith.constant 0 : index
      %get3A_185 = arith.constant 5632 : index
      %get3A_186 = vector.load %arg2[%get3A_184, %get3A_185] : memref<256x8192xf32, #tpu.memory_space<vmem>>, vector<256x128xf32>
      %max3A_187 = arith.maximumf %max3A_183, %get3A_186 : vector<256x128xf32>
      %get3A_188 = arith.constant 0 : index
      %get3A_189 = arith.constant 5760 : index
      %get3A_190 = vector.load %arg2[%get3A_188, %get3A_189] : memref<256x8192xf32, #tpu.memory_space<vmem>>, vector<256x128xf32>
      %max3A_191 = arith.maximumf %max3A_187, %get3A_190 : vector<256x128xf32>
      %get3A_192 = arith.constant 0 : index
      %get3A_193 = arith.constant 5888 : index
      %get3A_194 = vector.load %arg2[%get3A_192, %get3A_193] : memref<256x8192xf32, #tpu.memory_space<vmem>>, vector<256x128xf32>
      %max3A_195 = arith.maximumf %max3A_191, %get3A_194 : vector<256x128xf32>
      %get3A_196 = arith.constant 0 : index
      %get3A_197 = arith.constant 6016 : index
      %get3A_198 = vector.load %arg2[%get3A_196, %get3A_197] : memref<256x8192xf32, #tpu.memory_space<vmem>>, vector<256x128xf32>
      %max3A_199 = arith.maximumf %max3A_195, %get3A_198 : vector<256x128xf32>
      %get3A_200 = arith.constant 0 : index
      %get3A_201 = arith.constant 6144 : index
      %get3A_202 = vector.load %arg2[%get3A_200, %get3A_201] : memref<256x8192xf32, #tpu.memory_space<vmem>>, vector<256x128xf32>
      %max3A_203 = arith.maximumf %max3A_199, %get3A_202 : vector<256x128xf32>
      %get3A_204 = arith.constant 0 : index
      %get3A_205 = arith.constant 6272 : index
      %get3A_206 = vector.load %arg2[%get3A_204, %get3A_205] : memref<256x8192xf32, #tpu.memory_space<vmem>>, vector<256x128xf32>
      %max3A_207 = arith.maximumf %max3A_203, %get3A_206 : vector<256x128xf32>
      %get3A_208 = arith.constant 0 : index
      %get3A_209 = arith.constant 6400 : index
      %get3A_210 = vector.load %arg2[%get3A_208, %get3A_209] : memref<256x8192xf32, #tpu.memory_space<vmem>>, vector<256x128xf32>
      %max3A_211 = arith.maximumf %max3A_207, %get3A_210 : vector<256x128xf32>
      %get3A_212 = arith.constant 0 : index
      %get3A_213 = arith.constant 6528 : index
      %get3A_214 = vector.load %arg2[%get3A_212, %get3A_213] : memref<256x8192xf32, #tpu.memory_space<vmem>>, vector<256x128xf32>
      %max3A_215 = arith.maximumf %max3A_211, %get3A_214 : vector<256x128xf32>
      %get3A_216 = arith.constant 0 : index
      %get3A_217 = arith.constant 6656 : index
      %get3A_218 = vector.load %arg2[%get3A_216, %get3A_217] : memref<256x8192xf32, #tpu.memory_space<vmem>>, vector<256x128xf32>
      %max3A_219 = arith.maximumf %max3A_215, %get3A_218 : vector<256x128xf32>
      %get3A_220 = arith.constant 0 : index
      %get3A_221 = arith.constant 6784 : index
      %get3A_222 = vector.load %arg2[%get3A_220, %get3A_221] : memref<256x8192xf32, #tpu.memory_space<vmem>>, vector<256x128xf32>
      %max3A_223 = arith.maximumf %max3A_219, %get3A_222 : vector<256x128xf32>
      %get3A_224 = arith.constant 0 : index
      %get3A_225 = arith.constant 6912 : index
      %get3A_226 = vector.load %arg2[%get3A_224, %get3A_225] : memref<256x8192xf32, #tpu.memory_space<vmem>>, vector<256x128xf32>
      %max3A_227 = arith.maximumf %max3A_223, %get3A_226 : vector<256x128xf32>
      %get3A_228 = arith.constant 0 : index
      %get3A_229 = arith.constant 7040 : index
      %get3A_230 = vector.load %arg2[%get3A_228, %get3A_229] : memref<256x8192xf32, #tpu.memory_space<vmem>>, vector<256x128xf32>
      %max3A_231 = arith.maximumf %max3A_227, %get3A_230 : vector<256x128xf32>
      %get3A_232 = arith.constant 0 : index
      %get3A_233 = arith.constant 7168 : index
      %get3A_234 = vector.load %arg2[%get3A_232, %get3A_233] : memref<256x8192xf32, #tpu.memory_space<vmem>>, vector<256x128xf32>
      %max3A_235 = arith.maximumf %max3A_231, %get3A_234 : vector<256x128xf32>
      %get3A_236 = arith.constant 0 : index
      %get3A_237 = arith.constant 7296 : index
      %get3A_238 = vector.load %arg2[%get3A_236, %get3A_237] : memref<256x8192xf32, #tpu.memory_space<vmem>>, vector<256x128xf32>
      %max3A_239 = arith.maximumf %max3A_235, %get3A_238 : vector<256x128xf32>
      %get3A_240 = arith.constant 0 : index
      %get3A_241 = arith.constant 7424 : index
      %get3A_242 = vector.load %arg2[%get3A_240, %get3A_241] : memref<256x8192xf32, #tpu.memory_space<vmem>>, vector<256x128xf32>
      %max3A_243 = arith.maximumf %max3A_239, %get3A_242 : vector<256x128xf32>
      %get3A_244 = arith.constant 0 : index
      %get3A_245 = arith.constant 7552 : index
      %get3A_246 = vector.load %arg2[%get3A_244, %get3A_245] : memref<256x8192xf32, #tpu.memory_space<vmem>>, vector<256x128xf32>
      %max3A_247 = arith.maximumf %max3A_243, %get3A_246 : vector<256x128xf32>
      %get3A_248 = arith.constant 0 : index
      %get3A_249 = arith.constant 7680 : index
      %get3A_250 = vector.load %arg2[%get3A_248, %get3A_249] : memref<256x8192xf32, #tpu.memory_space<vmem>>, vector<256x128xf32>
      %max3A_251 = arith.maximumf %max3A_247, %get3A_250 : vector<256x128xf32>
      %get3A_252 = arith.constant 0 : index
      %get3A_253 = arith.constant 7808 : index
      %get3A_254 = vector.load %arg2[%get3A_252, %get3A_253] : memref<256x8192xf32, #tpu.memory_space<vmem>>, vector<256x128xf32>
      %max3A_255 = arith.maximumf %max3A_251, %get3A_254 : vector<256x128xf32>
      %get3A_256 = arith.constant 0 : index
      %get3A_257 = arith.constant 7936 : index
      %get3A_258 = vector.load %arg2[%get3A_256, %get3A_257] : memref<256x8192xf32, #tpu.memory_space<vmem>>, vector<256x128xf32>
      %max3A_259 = arith.maximumf %max3A_255, %get3A_258 : vector<256x128xf32>
      %get3A_260 = arith.constant 0 : index
      %get3A_261 = arith.constant 8064 : index
      %get3A_262 = vector.load %arg2[%get3A_260, %get3A_261] : memref<256x8192xf32, #tpu.memory_space<vmem>>, vector<256x128xf32>
      %max3A_263 = arith.maximumf %max3A_259, %get3A_262 : vector<256x128xf32>
      %get3A_264 = arith.constant 0 : index
      %get3A_265 = arith.constant 0 : index
      %get3A_266 = vector.load %arg6[%get3A_264, %get3A_265] : memref<256x128xf32, #tpu.memory_space<vmem>>, vector<256x128xf32>
      %max3A_267 = arith.maximumf %get3A_266, %max3A_263 : vector<256x128xf32>
      %get3A_268 = arith.constant 0 : index
      %get3A_269 = arith.constant 0 : index
      %get3A_270 = vector.load %arg7[%get3A_268, %get3A_269] : memref<256x128xf32, #tpu.memory_space<vmem>>, vector<256x128xf32>
      %get3A_271 = arith.constant 0 : index
      %get3A_272 = arith.constant 0 : index
      %get3A_273 = vector.load %arg6[%get3A_271, %get3A_272] : memref<256x128xf32, #tpu.memory_space<vmem>>, vector<256x128xf32>
      %sub3A = arith.subf %get3A_273, %max3A_267 : vector<256x128xf32>
      %exp3A = math.exp %sub3A : vector<256x128xf32>
      %mul3A = arith.mulf %get3A_270, %exp3A : vector<256x128xf32>
      %swap3A = arith.constant 0 : index
      %swap3A_274 = arith.constant 0 : index
      %swap3A_275 = vector.load %arg7[%swap3A, %swap3A_274] : memref<256x128xf32, #tpu.memory_space<vmem>>, vector<256x128xf32>
      tpu.vector_store %arg7[%swap3A, %swap3A_274], %mul3A {strides = array<i32>} : memref<256x128xf32, #tpu.memory_space<vmem>>, vector<256x128xf32>,
      %swap3A_276 = arith.constant 0 : index
      %swap3A_277 = arith.constant 0 : index
      %swap3A_278 = vector.load %arg6[%swap3A_276, %swap3A_277] : memref<256x128xf32, #tpu.memory_space<vmem>>, vector<256x128xf32>
      tpu.vector_store %arg6[%swap3A_276, %swap3A_277], %max3A_267 {strides = array<i32>} : memref<256x128xf32, #tpu.memory_space<vmem>>, vector<256x128xf32>,
      %get3A_279 = arith.constant 0 : index
      %get3A_280 = arith.constant 0 : index
      %get3A_281 = vector.load %arg7[%get3A_279, %get3A_280] : memref<256x128xf32, #tpu.memory_space<vmem>>, vector<256x128xf32>
      %get3A_282 = arith.constant 0 : index
      %get3A_283 = arith.constant 0 : index
      %get3A_284 = vector.load %arg8[%get3A_282, %get3A_283] : memref<256x128xf32, #tpu.memory_space<vmem>>, vector<256x128xf32>
      %get3A_285 = arith.constant 0 : index
      %get3A_286 = arith.constant 0 : index
      %get3A_287 = vector.load %arg2[%get3A_285, %get3A_286] : memref<256x8192xf32, #tpu.memory_space<vmem>>, vector<256x128xf32>
      %sub3A_288 = arith.subf %get3A_287, %max3A_267 : vector<256x128xf32>
      %exp3A_289 = math.exp %sub3A_288 : vector<256x128xf32>
      %add3A = arith.addf %get3A_281, %exp3A_289 : vector<256x128xf32>
      %add3A_290 = arith.addf %get3A_284, %get3A_287 : vector<256x128xf32>
      %get3A_291 = arith.constant 0 : index
      %get3A_292 = arith.constant 128 : index
      %get3A_293 = vector.load %arg2[%get3A_291, %get3A_292] : memref<256x8192xf32, #tpu.memory_space<vmem>>, vector<256x128xf32>
      %sub3A_294 = arith.subf %get3A_293, %max3A_267 : vector<256x128xf32>
      %exp3A_295 = math.exp %sub3A_294 : vector<256x128xf32>
      %add3A_296 = arith.addf %add3A, %exp3A_295 : vector<256x128xf32>
      %add3A_297 = arith.addf %add3A_290, %get3A_293 : vector<256x128xf32>
      %get3A_298 = arith.constant 0 : index
      %get3A_299 = arith.constant 256 : index
      %get3A_300 = vector.load %arg2[%get3A_298, %get3A_299] : memref<256x8192xf32, #tpu.memory_space<vmem>>, vector<256x128xf32>
      %sub3A_301 = arith.subf %get3A_300, %max3A_267 : vector<256x128xf32>
      %exp3A_302 = math.exp %sub3A_301 : vector<256x128xf32>
      %add3A_303 = arith.addf %add3A_296, %exp3A_302 : vector<256x128xf32>
      %add3A_304 = arith.addf %add3A_297, %get3A_300 : vector<256x128xf32>
      %get3A_305 = arith.constant 0 : index
      %get3A_306 = arith.constant 384 : index
      %get3A_307 = vector.load %arg2[%get3A_305, %get3A_306] : memref<256x8192xf32, #tpu.memory_space<vmem>>, vector<256x128xf32>
      %sub3A_308 = arith.subf %get3A_307, %max3A_267 : vector<256x128xf32>
      %exp3A_309 = math.exp %sub3A_308 : vector<256x128xf32>
      %add3A_310 = arith.addf %add3A_303, %exp3A_309 : vector<256x128xf32>
      %add3A_311 = arith.addf %add3A_304, %get3A_307 : vector<256x128xf32>
      %get3A_312 = arith.constant 0 : index
      %get3A_313 = arith.constant 512 : index
      %get3A_314 = vector.load %arg2[%get3A_312, %get3A_313] : memref<256x8192xf32, #tpu.memory_space<vmem>>, vector<256x128xf32>
      %sub3A_315 = arith.subf %get3A_314, %max3A_267 : vector<256x128xf32>
      %exp3A_316 = math.exp %sub3A_315 : vector<256x128xf32>
      %add3A_317 = arith.addf %add3A_310, %exp3A_316 : vector<256x128xf32>
      %add3A_318 = arith.addf %add3A_311, %get3A_314 : vector<256x128xf32>
      %get3A_319 = arith.constant 0 : index
      %get3A_320 = arith.constant 640 : index
      %get3A_321 = vector.load %arg2[%get3A_319, %get3A_320] : memref<256x8192xf32, #tpu.memory_space<vmem>>, vector<256x128xf32>
      %sub3A_322 = arith.subf %get3A_321, %max3A_267 : vector<256x128xf32>
      %exp3A_323 = math.exp %sub3A_322 : vector<256x128xf32>
      %add3A_324 = arith.addf %add3A_317, %exp3A_323 : vector<256x128xf32>
      %add3A_325 = arith.addf %add3A_318, %get3A_321 : vector<256x128xf32>
      %get3A_326 = arith.constant 0 : index
      %get3A_327 = arith.constant 768 : index
      %get3A_328 = vector.load %arg2[%get3A_326, %get3A_327] : memref<256x8192xf32, #tpu.memory_space<vmem>>, vector<256x128xf32>
      %sub3A_329 = arith.subf %get3A_328, %max3A_267 : vector<256x128xf32>
      %exp3A_330 = math.exp %sub3A_329 : vector<256x128xf32>
      %add3A_331 = arith.addf %add3A_324, %exp3A_330 : vector<256x128xf32>
      %add3A_332 = arith.addf %add3A_325, %get3A_328 : vector<256x128xf32>
      %get3A_333 = arith.constant 0 : index
      %get3A_334 = arith.constant 896 : index
      %get3A_335 = vector.load %arg2[%get3A_333, %get3A_334] : memref<256x8192xf32, #tpu.memory_space<vmem>>, vector<256x128xf32>
      %sub3A_336 = arith.subf %get3A_335, %max3A_267 : vector<256x128xf32>
      %exp3A_337 = math.exp %sub3A_336 : vector<256x128xf32>
      %add3A_338 = arith.addf %add3A_331, %exp3A_337 : vector<256x128xf32>
      %add3A_339 = arith.addf %add3A_332, %get3A_335 : vector<256x128xf32>
      %get3A_340 = arith.constant 0 : index
      %get3A_341 = arith.constant 1024 : index
      %get3A_342 = vector.load %arg2[%get3A_340, %get3A_341] : memref<256x8192xf32, #tpu.memory_space<vmem>>, vector<256x128xf32>
      %sub3A_343 = arith.subf %get3A_342, %max3A_267 : vector<256x128xf32>
      %exp3A_344 = math.exp %sub3A_343 : vector<256x128xf32>
      %add3A_345 = arith.addf %add3A_338, %exp3A_344 : vector<256x128xf32>
      %add3A_346 = arith.addf %add3A_339, %get3A_342 : vector<256x128xf32>
      %get3A_347 = arith.constant 0 : index
      %get3A_348 = arith.constant 1152 : index
      %get3A_349 = vector.load %arg2[%get3A_347, %get3A_348] : memref<256x8192xf32, #tpu.memory_space<vmem>>, vector<256x128xf32>
      %sub3A_350 = arith.subf %get3A_349, %max3A_267 : vector<256x128xf32>
      %exp3A_351 = math.exp %sub3A_350 : vector<256x128xf32>
      %add3A_352 = arith.addf %add3A_345, %exp3A_351 : vector<256x128xf32>
      %add3A_353 = arith.addf %add3A_346, %get3A_349 : vector<256x128xf32>
      %get3A_354 = arith.constant 0 : index
      %get3A_355 = arith.constant 1280 : index
      %get3A_356 = vector.load %arg2[%get3A_354, %get3A_355] : memref<256x8192xf32, #tpu.memory_space<vmem>>, vector<256x128xf32>
      %sub3A_357 = arith.subf %get3A_356, %max3A_267 : vector<256x128xf32>
      %exp3A_358 = math.exp %sub3A_357 : vector<256x128xf32>
      %add3A_359 = arith.addf %add3A_352, %exp3A_358 : vector<256x128xf32>
      %add3A_360 = arith.addf %add3A_353, %get3A_356 : vector<256x128xf32>
      %get3A_361 = arith.constant 0 : index
      %get3A_362 = arith.constant 1408 : index
      %get3A_363 = vector.load %arg2[%get3A_361, %get3A_362] : memref<256x8192xf32, #tpu.memory_space<vmem>>, vector<256x128xf32>
      %sub3A_364 = arith.subf %get3A_363, %max3A_267 : vector<256x128xf32>
      %exp3A_365 = math.exp %sub3A_364 : vector<256x128xf32>
      %add3A_366 = arith.addf %add3A_359, %exp3A_365 : vector<256x128xf32>
      %add3A_367 = arith.addf %add3A_360, %get3A_363 : vector<256x128xf32>
      %get3A_368 = arith.constant 0 : index
      %get3A_369 = arith.constant 1536 : index
      %get3A_370 = vector.load %arg2[%get3A_368, %get3A_369] : memref<256x8192xf32, #tpu.memory_space<vmem>>, vector<256x128xf32>
      %sub3A_371 = arith.subf %get3A_370, %max3A_267 : vector<256x128xf32>
      %exp3A_372 = math.exp %sub3A_371 : vector<256x128xf32>
      %add3A_373 = arith.addf %add3A_366, %exp3A_372 : vector<256x128xf32>
      %add3A_374 = arith.addf %add3A_367, %get3A_370 : vector<256x128xf32>
      %get3A_375 = arith.constant 0 : index
      %get3A_376 = arith.constant 1664 : index
      %get3A_377 = vector.load %arg2[%get3A_375, %get3A_376] : memref<256x8192xf32, #tpu.memory_space<vmem>>, vector<256x128xf32>
      %sub3A_378 = arith.subf %get3A_377, %max3A_267 : vector<256x128xf32>
      %exp3A_379 = math.exp %sub3A_378 : vector<256x128xf32>
      %add3A_380 = arith.addf %add3A_373, %exp3A_379 : vector<256x128xf32>
      %add3A_381 = arith.addf %add3A_374, %get3A_377 : vector<256x128xf32>
      %get3A_382 = arith.constant 0 : index
      %get3A_383 = arith.constant 1792 : index
      %get3A_384 = vector.load %arg2[%get3A_382, %get3A_383] : memref<256x8192xf32, #tpu.memory_space<vmem>>, vector<256x128xf32>
      %sub3A_385 = arith.subf %get3A_384, %max3A_267 : vector<256x128xf32>
      %exp3A_386 = math.exp %sub3A_385 : vector<256x128xf32>
      %add3A_387 = arith.addf %add3A_380, %exp3A_386 : vector<256x128xf32>
      %add3A_388 = arith.addf %add3A_381, %get3A_384 : vector<256x128xf32>
      %get3A_389 = arith.constant 0 : index
      %get3A_390 = arith.constant 1920 : index
      %get3A_391 = vector.load %arg2[%get3A_389, %get3A_390] : memref<256x8192xf32, #tpu.memory_space<vmem>>, vector<256x128xf32>
      %sub3A_392 = arith.subf %get3A_391, %max3A_267 : vector<256x128xf32>
      %exp3A_393 = math.exp %sub3A_392 : vector<256x128xf32>
      %add3A_394 = arith.addf %add3A_387, %exp3A_393 : vector<256x128xf32>
      %add3A_395 = arith.addf %add3A_388, %get3A_391 : vector<256x128xf32>
      %get3A_396 = arith.constant 0 : index
      %get3A_397 = arith.constant 2048 : index
      %get3A_398 = vector.load %arg2[%get3A_396, %get3A_397] : memref<256x8192xf32, #tpu.memory_space<vmem>>, vector<256x128xf32>
      %sub3A_399 = arith.subf %get3A_398, %max3A_267 : vector<256x128xf32>
      %exp3A_400 = math.exp %sub3A_399 : vector<256x128xf32>
      %add3A_401 = arith.addf %add3A_394, %exp3A_400 : vector<256x128xf32>
      %add3A_402 = arith.addf %add3A_395, %get3A_398 : vector<256x128xf32>
      %get3A_403 = arith.constant 0 : index
      %get3A_404 = arith.constant 2176 : index
      %get3A_405 = vector.load %arg2[%get3A_403, %get3A_404] : memref<256x8192xf32, #tpu.memory_space<vmem>>, vector<256x128xf32>
      %sub3A_406 = arith.subf %get3A_405, %max3A_267 : vector<256x128xf32>
      %exp3A_407 = math.exp %sub3A_406 : vector<256x128xf32>
      %add3A_408 = arith.addf %add3A_401, %exp3A_407 : vector<256x128xf32>
      %add3A_409 = arith.addf %add3A_402, %get3A_405 : vector<256x128xf32>
      %get3A_410 = arith.constant 0 : index
      %get3A_411 = arith.constant 2304 : index
      %get3A_412 = vector.load %arg2[%get3A_410, %get3A_411] : memref<256x8192xf32, #tpu.memory_space<vmem>>, vector<256x128xf32>
      %sub3A_413 = arith.subf %get3A_412, %max3A_267 : vector<256x128xf32>
      %exp3A_414 = math.exp %sub3A_413 : vector<256x128xf32>
      %add3A_415 = arith.addf %add3A_408, %exp3A_414 : vector<256x128xf32>
      %add3A_416 = arith.addf %add3A_409, %get3A_412 : vector<256x128xf32>
      %get3A_417 = arith.constant 0 : index
      %get3A_418 = arith.constant 2432 : index
      %get3A_419 = vector.load %arg2[%get3A_417, %get3A_418] : memref<256x8192xf32, #tpu.memory_space<vmem>>, vector<256x128xf32>
      %sub3A_420 = arith.subf %get3A_419, %max3A_267 : vector<256x128xf32>
      %exp3A_421 = math.exp %sub3A_420 : vector<256x128xf32>
      %add3A_422 = arith.addf %add3A_415, %exp3A_421 : vector<256x128xf32>
      %add3A_423 = arith.addf %add3A_416, %get3A_419 : vector<256x128xf32>
      %get3A_424 = arith.constant 0 : index
      %get3A_425 = arith.constant 2560 : index
      %get3A_426 = vector.load %arg2[%get3A_424, %get3A_425] : memref<256x8192xf32, #tpu.memory_space<vmem>>, vector<256x128xf32>
      %sub3A_427 = arith.subf %get3A_426, %max3A_267 : vector<256x128xf32>
      %exp3A_428 = math.exp %sub3A_427 : vector<256x128xf32>
      %add3A_429 = arith.addf %add3A_422, %exp3A_428 : vector<256x128xf32>
      %add3A_430 = arith.addf %add3A_423, %get3A_426 : vector<256x128xf32>
      %get3A_431 = arith.constant 0 : index
      %get3A_432 = arith.constant 2688 : index
      %get3A_433 = vector.load %arg2[%get3A_431, %get3A_432] : memref<256x8192xf32, #tpu.memory_space<vmem>>, vector<256x128xf32>
      %sub3A_434 = arith.subf %get3A_433, %max3A_267 : vector<256x128xf32>
      %exp3A_435 = math.exp %sub3A_434 : vector<256x128xf32>
      %add3A_436 = arith.addf %add3A_429, %exp3A_435 : vector<256x128xf32>
      %add3A_437 = arith.addf %add3A_430, %get3A_433 : vector<256x128xf32>
      %get3A_438 = arith.constant 0 : index
      %get3A_439 = arith.constant 2816 : index
      %get3A_440 = vector.load %arg2[%get3A_438, %get3A_439] : memref<256x8192xf32, #tpu.memory_space<vmem>>, vector<256x128xf32>
      %sub3A_441 = arith.subf %get3A_440, %max3A_267 : vector<256x128xf32>
      %exp3A_442 = math.exp %sub3A_441 : vector<256x128xf32>
      %add3A_443 = arith.addf %add3A_436, %exp3A_442 : vector<256x128xf32>
      %add3A_444 = arith.addf %add3A_437, %get3A_440 : vector<256x128xf32>
      %get3A_445 = arith.constant 0 : index
      %get3A_446 = arith.constant 2944 : index
      %get3A_447 = vector.load %arg2[%get3A_445, %get3A_446] : memref<256x8192xf32, #tpu.memory_space<vmem>>, vector<256x128xf32>
      %sub3A_448 = arith.subf %get3A_447, %max3A_267 : vector<256x128xf32>
      %exp3A_449 = math.exp %sub3A_448 : vector<256x128xf32>
      %add3A_450 = arith.addf %add3A_443, %exp3A_449 : vector<256x128xf32>
      %add3A_451 = arith.addf %add3A_444, %get3A_447 : vector<256x128xf32>
      %get3A_452 = arith.constant 0 : index
      %get3A_453 = arith.constant 3072 : index
      %get3A_454 = vector.load %arg2[%get3A_452, %get3A_453] : memref<256x8192xf32, #tpu.memory_space<vmem>>, vector<256x128xf32>
      %sub3A_455 = arith.subf %get3A_454, %max3A_267 : vector<256x128xf32>
      %exp3A_456 = math.exp %sub3A_455 : vector<256x128xf32>
      %add3A_457 = arith.addf %add3A_450, %exp3A_456 : vector<256x128xf32>
      %add3A_458 = arith.addf %add3A_451, %get3A_454 : vector<256x128xf32>
      %get3A_459 = arith.constant 0 : index
      %get3A_460 = arith.constant 3200 : index
      %get3A_461 = vector.load %arg2[%get3A_459, %get3A_460] : memref<256x8192xf32, #tpu.memory_space<vmem>>, vector<256x128xf32>
      %sub3A_462 = arith.subf %get3A_461, %max3A_267 : vector<256x128xf32>
      %exp3A_463 = math.exp %sub3A_462 : vector<256x128xf32>
      %add3A_464 = arith.addf %add3A_457, %exp3A_463 : vector<256x128xf32>
      %add3A_465 = arith.addf %add3A_458, %get3A_461 : vector<256x128xf32>
      %get3A_466 = arith.constant 0 : index
      %get3A_467 = arith.constant 3328 : index
      %get3A_468 = vector.load %arg2[%get3A_466, %get3A_467] : memref<256x8192xf32, #tpu.memory_space<vmem>>, vector<256x128xf32>
      %sub3A_469 = arith.subf %get3A_468, %max3A_267 : vector<256x128xf32>
      %exp3A_470 = math.exp %sub3A_469 : vector<256x128xf32>
      %add3A_471 = arith.addf %add3A_464, %exp3A_470 : vector<256x128xf32>
      %add3A_472 = arith.addf %add3A_465, %get3A_468 : vector<256x128xf32>
      %get3A_473 = arith.constant 0 : index
      %get3A_474 = arith.constant 3456 : index
      %get3A_475 = vector.load %arg2[%get3A_473, %get3A_474] : memref<256x8192xf32, #tpu.memory_space<vmem>>, vector<256x128xf32>
      %sub3A_476 = arith.subf %get3A_475, %max3A_267 : vector<256x128xf32>
      %exp3A_477 = math.exp %sub3A_476 : vector<256x128xf32>
      %add3A_478 = arith.addf %add3A_471, %exp3A_477 : vector<256x128xf32>
      %add3A_479 = arith.addf %add3A_472, %get3A_475 : vector<256x128xf32>
      %get3A_480 = arith.constant 0 : index
      %get3A_481 = arith.constant 3584 : index
      %get3A_482 = vector.load %arg2[%get3A_480, %get3A_481] : memref<256x8192xf32, #tpu.memory_space<vmem>>, vector<256x128xf32>
      %sub3A_483 = arith.subf %get3A_482, %max3A_267 : vector<256x128xf32>
      %exp3A_484 = math.exp %sub3A_483 : vector<256x128xf32>
      %add3A_485 = arith.addf %add3A_478, %exp3A_484 : vector<256x128xf32>
      %add3A_486 = arith.addf %add3A_479, %get3A_482 : vector<256x128xf32>
      %get3A_487 = arith.constant 0 : index
      %get3A_488 = arith.constant 3712 : index
      %get3A_489 = vector.load %arg2[%get3A_487, %get3A_488] : memref<256x8192xf32, #tpu.memory_space<vmem>>, vector<256x128xf32>
      %sub3A_490 = arith.subf %get3A_489, %max3A_267 : vector<256x128xf32>
      %exp3A_491 = math.exp %sub3A_490 : vector<256x128xf32>
      %add3A_492 = arith.addf %add3A_485, %exp3A_491 : vector<256x128xf32>
      %add3A_493 = arith.addf %add3A_486, %get3A_489 : vector<256x128xf32>
      %get3A_494 = arith.constant 0 : index
      %get3A_495 = arith.constant 3840 : index
      %get3A_496 = vector.load %arg2[%get3A_494, %get3A_495] : memref<256x8192xf32, #tpu.memory_space<vmem>>, vector<256x128xf32>
      %sub3A_497 = arith.subf %get3A_496, %max3A_267 : vector<256x128xf32>
      %exp3A_498 = math.exp %sub3A_497 : vector<256x128xf32>
      %add3A_499 = arith.addf %add3A_492, %exp3A_498 : vector<256x128xf32>
      %add3A_500 = arith.addf %add3A_493, %get3A_496 : vector<256x128xf32>
      %get3A_501 = arith.constant 0 : index
      %get3A_502 = arith.constant 3968 : index
      %get3A_503 = vector.load %arg2[%get3A_501, %get3A_502] : memref<256x8192xf32, #tpu.memory_space<vmem>>, vector<256x128xf32>
      %sub3A_504 = arith.subf %get3A_503, %max3A_267 : vector<256x128xf32>
      %exp3A_505 = math.exp %sub3A_504 : vector<256x128xf32>
      %add3A_506 = arith.addf %add3A_499, %exp3A_505 : vector<256x128xf32>
      %add3A_507 = arith.addf %add3A_500, %get3A_503 : vector<256x128xf32>
      %get3A_508 = arith.constant 0 : index
      %get3A_509 = arith.constant 4096 : index
      %get3A_510 = vector.load %arg2[%get3A_508, %get3A_509] : memref<256x8192xf32, #tpu.memory_space<vmem>>, vector<256x128xf32>
      %sub3A_511 = arith.subf %get3A_510, %max3A_267 : vector<256x128xf32>
      %exp3A_512 = math.exp %sub3A_511 : vector<256x128xf32>
      %add3A_513 = arith.addf %add3A_506, %exp3A_512 : vector<256x128xf32>
      %add3A_514 = arith.addf %add3A_507, %get3A_510 : vector<256x128xf32>
      %get3A_515 = arith.constant 0 : index
      %get3A_516 = arith.constant 4224 : index
      %get3A_517 = vector.load %arg2[%get3A_515, %get3A_516] : memref<256x8192xf32, #tpu.memory_space<vmem>>, vector<256x128xf32>
      %sub3A_518 = arith.subf %get3A_517, %max3A_267 : vector<256x128xf32>
      %exp3A_519 = math.exp %sub3A_518 : vector<256x128xf32>
      %add3A_520 = arith.addf %add3A_513, %exp3A_519 : vector<256x128xf32>
      %add3A_521 = arith.addf %add3A_514, %get3A_517 : vector<256x128xf32>
      %get3A_522 = arith.constant 0 : index
      %get3A_523 = arith.constant 4352 : index
      %get3A_524 = vector.load %arg2[%get3A_522, %get3A_523] : memref<256x8192xf32, #tpu.memory_space<vmem>>, vector<256x128xf32>
      %sub3A_525 = arith.subf %get3A_524, %max3A_267 : vector<256x128xf32>
      %exp3A_526 = math.exp %sub3A_525 : vector<256x128xf32>
      %add3A_527 = arith.addf %add3A_520, %exp3A_526 : vector<256x128xf32>
      %add3A_528 = arith.addf %add3A_521, %get3A_524 : vector<256x128xf32>
      %get3A_529 = arith.constant 0 : index
      %get3A_530 = arith.constant 4480 : index
      %get3A_531 = vector.load %arg2[%get3A_529, %get3A_530] : memref<256x8192xf32, #tpu.memory_space<vmem>>, vector<256x128xf32>
      %sub3A_532 = arith.subf %get3A_531, %max3A_267 : vector<256x128xf32>
      %exp3A_533 = math.exp %sub3A_532 : vector<256x128xf32>
      %add3A_534 = arith.addf %add3A_527, %exp3A_533 : vector<256x128xf32>
      %add3A_535 = arith.addf %add3A_528, %get3A_531 : vector<256x128xf32>
      %get3A_536 = arith.constant 0 : index
      %get3A_537 = arith.constant 4608 : index
      %get3A_538 = vector.load %arg2[%get3A_536, %get3A_537] : memref<256x8192xf32, #tpu.memory_space<vmem>>, vector<256x128xf32>
      %sub3A_539 = arith.subf %get3A_538, %max3A_267 : vector<256x128xf32>
      %exp3A_540 = math.exp %sub3A_539 : vector<256x128xf32>
      %add3A_541 = arith.addf %add3A_534, %exp3A_540 : vector<256x128xf32>
      %add3A_542 = arith.addf %add3A_535, %get3A_538 : vector<256x128xf32>
      %get3A_543 = arith.constant 0 : index
      %get3A_544 = arith.constant 4736 : index
      %get3A_545 = vector.load %arg2[%get3A_543, %get3A_544] : memref<256x8192xf32, #tpu.memory_space<vmem>>, vector<256x128xf32>
      %sub3A_546 = arith.subf %get3A_545, %max3A_267 : vector<256x128xf32>
      %exp3A_547 = math.exp %sub3A_546 : vector<256x128xf32>
      %add3A_548 = arith.addf %add3A_541, %exp3A_547 : vector<256x128xf32>
      %add3A_549 = arith.addf %add3A_542, %get3A_545 : vector<256x128xf32>
      %get3A_550 = arith.constant 0 : index
      %get3A_551 = arith.constant 4864 : index
      %get3A_552 = vector.load %arg2[%get3A_550, %get3A_551] : memref<256x8192xf32, #tpu.memory_space<vmem>>, vector<256x128xf32>
      %sub3A_553 = arith.subf %get3A_552, %max3A_267 : vector<256x128xf32>
      %exp3A_554 = math.exp %sub3A_553 : vector<256x128xf32>
      %add3A_555 = arith.addf %add3A_548, %exp3A_554 : vector<256x128xf32>
      %add3A_556 = arith.addf %add3A_549, %get3A_552 : vector<256x128xf32>
      %get3A_557 = arith.constant 0 : index
      %get3A_558 = arith.constant 4992 : index
      %get3A_559 = vector.load %arg2[%get3A_557, %get3A_558] : memref<256x8192xf32, #tpu.memory_space<vmem>>, vector<256x128xf32>
      %sub3A_560 = arith.subf %get3A_559, %max3A_267 : vector<256x128xf32>
      %exp3A_561 = math.exp %sub3A_560 : vector<256x128xf32>
      %add3A_562 = arith.addf %add3A_555, %exp3A_561 : vector<256x128xf32>
      %add3A_563 = arith.addf %add3A_556, %get3A_559 : vector<256x128xf32>
      %get3A_564 = arith.constant 0 : index
      %get3A_565 = arith.constant 5120 : index
      %get3A_566 = vector.load %arg2[%get3A_564, %get3A_565] : memref<256x8192xf32, #tpu.memory_space<vmem>>, vector<256x128xf32>
      %sub3A_567 = arith.subf %get3A_566, %max3A_267 : vector<256x128xf32>
      %exp3A_568 = math.exp %sub3A_567 : vector<256x128xf32>
      %add3A_569 = arith.addf %add3A_562, %exp3A_568 : vector<256x128xf32>
      %add3A_570 = arith.addf %add3A_563, %get3A_566 : vector<256x128xf32>
      %get3A_571 = arith.constant 0 : index
      %get3A_572 = arith.constant 5248 : index
      %get3A_573 = vector.load %arg2[%get3A_571, %get3A_572] : memref<256x8192xf32, #tpu.memory_space<vmem>>, vector<256x128xf32>
      %sub3A_574 = arith.subf %get3A_573, %max3A_267 : vector<256x128xf32>
      %exp3A_575 = math.exp %sub3A_574 : vector<256x128xf32>
      %add3A_576 = arith.addf %add3A_569, %exp3A_575 : vector<256x128xf32>
      %add3A_577 = arith.addf %add3A_570, %get3A_573 : vector<256x128xf32>
      %get3A_578 = arith.constant 0 : index
      %get3A_579 = arith.constant 5376 : index
      %get3A_580 = vector.load %arg2[%get3A_578, %get3A_579] : memref<256x8192xf32, #tpu.memory_space<vmem>>, vector<256x128xf32>
      %sub3A_581 = arith.subf %get3A_580, %max3A_267 : vector<256x128xf32>
      %exp3A_582 = math.exp %sub3A_581 : vector<256x128xf32>
      %add3A_583 = arith.addf %add3A_576, %exp3A_582 : vector<256x128xf32>
      %add3A_584 = arith.addf %add3A_577, %get3A_580 : vector<256x128xf32>
      %get3A_585 = arith.constant 0 : index
      %get3A_586 = arith.constant 5504 : index
      %get3A_587 = vector.load %arg2[%get3A_585, %get3A_586] : memref<256x8192xf32, #tpu.memory_space<vmem>>, vector<256x128xf32>
      %sub3A_588 = arith.subf %get3A_587, %max3A_267 : vector<256x128xf32>
      %exp3A_589 = math.exp %sub3A_588 : vector<256x128xf32>
      %add3A_590 = arith.addf %add3A_583, %exp3A_589 : vector<256x128xf32>
      %add3A_591 = arith.addf %add3A_584, %get3A_587 : vector<256x128xf32>
      %get3A_592 = arith.constant 0 : index
      %get3A_593 = arith.constant 5632 : index
      %get3A_594 = vector.load %arg2[%get3A_592, %get3A_593] : memref<256x8192xf32, #tpu.memory_space<vmem>>, vector<256x128xf32>
      %sub3A_595 = arith.subf %get3A_594, %max3A_267 : vector<256x128xf32>
      %exp3A_596 = math.exp %sub3A_595 : vector<256x128xf32>
      %add3A_597 = arith.addf %add3A_590, %exp3A_596 : vector<256x128xf32>
      %add3A_598 = arith.addf %add3A_591, %get3A_594 : vector<256x128xf32>
      %get3A_599 = arith.constant 0 : index
      %get3A_600 = arith.constant 5760 : index
      %get3A_601 = vector.load %arg2[%get3A_599, %get3A_600] : memref<256x8192xf32, #tpu.memory_space<vmem>>, vector<256x128xf32>
      %sub3A_602 = arith.subf %get3A_601, %max3A_267 : vector<256x128xf32>
      %exp3A_603 = math.exp %sub3A_602 : vector<256x128xf32>
      %add3A_604 = arith.addf %add3A_597, %exp3A_603 : vector<256x128xf32>
      %add3A_605 = arith.addf %add3A_598, %get3A_601 : vector<256x128xf32>
      %get3A_606 = arith.constant 0 : index
      %get3A_607 = arith.constant 5888 : index
      %get3A_608 = vector.load %arg2[%get3A_606, %get3A_607] : memref<256x8192xf32, #tpu.memory_space<vmem>>, vector<256x128xf32>
      %sub3A_609 = arith.subf %get3A_608, %max3A_267 : vector<256x128xf32>
      %exp3A_610 = math.exp %sub3A_609 : vector<256x128xf32>
      %add3A_611 = arith.addf %add3A_604, %exp3A_610 : vector<256x128xf32>
      %add3A_612 = arith.addf %add3A_605, %get3A_608 : vector<256x128xf32>
      %get3A_613 = arith.constant 0 : index
      %get3A_614 = arith.constant 6016 : index
      %get3A_615 = vector.load %arg2[%get3A_613, %get3A_614] : memref<256x8192xf32, #tpu.memory_space<vmem>>, vector<256x128xf32>
      %sub3A_616 = arith.subf %get3A_615, %max3A_267 : vector<256x128xf32>
      %exp3A_617 = math.exp %sub3A_616 : vector<256x128xf32>
      %add3A_618 = arith.addf %add3A_611, %exp3A_617 : vector<256x128xf32>
      %add3A_619 = arith.addf %add3A_612, %get3A_615 : vector<256x128xf32>
      %get3A_620 = arith.constant 0 : index
      %get3A_621 = arith.constant 6144 : index
      %get3A_622 = vector.load %arg2[%get3A_620, %get3A_621] : memref<256x8192xf32, #tpu.memory_space<vmem>>, vector<256x128xf32>
      %sub3A_623 = arith.subf %get3A_622, %max3A_267 : vector<256x128xf32>
      %exp3A_624 = math.exp %sub3A_623 : vector<256x128xf32>
      %add3A_625 = arith.addf %add3A_618, %exp3A_624 : vector<256x128xf32>
      %add3A_626 = arith.addf %add3A_619, %get3A_622 : vector<256x128xf32>
      %get3A_627 = arith.constant 0 : index
      %get3A_628 = arith.constant 6272 : index
      %get3A_629 = vector.load %arg2[%get3A_627, %get3A_628] : memref<256x8192xf32, #tpu.memory_space<vmem>>, vector<256x128xf32>
      %sub3A_630 = arith.subf %get3A_629, %max3A_267 : vector<256x128xf32>
      %exp3A_631 = math.exp %sub3A_630 : vector<256x128xf32>
      %add3A_632 = arith.addf %add3A_625, %exp3A_631 : vector<256x128xf32>
      %add3A_633 = arith.addf %add3A_626, %get3A_629 : vector<256x128xf32>
      %get3A_634 = arith.constant 0 : index
      %get3A_635 = arith.constant 6400 : index
      %get3A_636 = vector.load %arg2[%get3A_634, %get3A_635] : memref<256x8192xf32, #tpu.memory_space<vmem>>, vector<256x128xf32>
      %sub3A_637 = arith.subf %get3A_636, %max3A_267 : vector<256x128xf32>
      %exp3A_638 = math.exp %sub3A_637 : vector<256x128xf32>
      %add3A_639 = arith.addf %add3A_632, %exp3A_638 : vector<256x128xf32>
      %add3A_640 = arith.addf %add3A_633, %get3A_636 : vector<256x128xf32>
      %get3A_641 = arith.constant 0 : index
      %get3A_642 = arith.constant 6528 : index
      %get3A_643 = vector.load %arg2[%get3A_641, %get3A_642] : memref<256x8192xf32, #tpu.memory_space<vmem>>, vector<256x128xf32>
      %sub3A_644 = arith.subf %get3A_643, %max3A_267 : vector<256x128xf32>
      %exp3A_645 = math.exp %sub3A_644 : vector<256x128xf32>
      %add3A_646 = arith.addf %add3A_639, %exp3A_645 : vector<256x128xf32>
      %add3A_647 = arith.addf %add3A_640, %get3A_643 : vector<256x128xf32>
      %get3A_648 = arith.constant 0 : index
      %get3A_649 = arith.constant 6656 : index
      %get3A_650 = vector.load %arg2[%get3A_648, %get3A_649] : memref<256x8192xf32, #tpu.memory_space<vmem>>, vector<256x128xf32>
      %sub3A_651 = arith.subf %get3A_650, %max3A_267 : vector<256x128xf32>
      %exp3A_652 = math.exp %sub3A_651 : vector<256x128xf32>
      %add3A_653 = arith.addf %add3A_646, %exp3A_652 : vector<256x128xf32>
      %add3A_654 = arith.addf %add3A_647, %get3A_650 : vector<256x128xf32>
      %get3A_655 = arith.constant 0 : index
      %get3A_656 = arith.constant 6784 : index
      %get3A_657 = vector.load %arg2[%get3A_655, %get3A_656] : memref<256x8192xf32, #tpu.memory_space<vmem>>, vector<256x128xf32>
      %sub3A_658 = arith.subf %get3A_657, %max3A_267 : vector<256x128xf32>
      %exp3A_659 = math.exp %sub3A_658 : vector<256x128xf32>
      %add3A_660 = arith.addf %add3A_653, %exp3A_659 : vector<256x128xf32>
      %add3A_661 = arith.addf %add3A_654, %get3A_657 : vector<256x128xf32>
      %get3A_662 = arith.constant 0 : index
      %get3A_663 = arith.constant 6912 : index
      %get3A_664 = vector.load %arg2[%get3A_662, %get3A_663] : memref<256x8192xf32, #tpu.memory_space<vmem>>, vector<256x128xf32>
      %sub3A_665 = arith.subf %get3A_664, %max3A_267 : vector<256x128xf32>
      %exp3A_666 = math.exp %sub3A_665 : vector<256x128xf32>
      %add3A_667 = arith.addf %add3A_660, %exp3A_666 : vector<256x128xf32>
      %add3A_668 = arith.addf %add3A_661, %get3A_664 : vector<256x128xf32>
      %get3A_669 = arith.constant 0 : index
      %get3A_670 = arith.constant 7040 : index
      %get3A_671 = vector.load %arg2[%get3A_669, %get3A_670] : memref<256x8192xf32, #tpu.memory_space<vmem>>, vector<256x128xf32>
      %sub3A_672 = arith.subf %get3A_671, %max3A_267 : vector<256x128xf32>
      %exp3A_673 = math.exp %sub3A_672 : vector<256x128xf32>
      %add3A_674 = arith.addf %add3A_667, %exp3A_673 : vector<256x128xf32>
      %add3A_675 = arith.addf %add3A_668, %get3A_671 : vector<256x128xf32>
      %get3A_676 = arith.constant 0 : index
      %get3A_677 = arith.constant 7168 : index
      %get3A_678 = vector.load %arg2[%get3A_676, %get3A_677] : memref<256x8192xf32, #tpu.memory_space<vmem>>, vector<256x128xf32>
      %sub3A_679 = arith.subf %get3A_678, %max3A_267 : vector<256x128xf32>
      %exp3A_680 = math.exp %sub3A_679 : vector<256x128xf32>
      %add3A_681 = arith.addf %add3A_674, %exp3A_680 : vector<256x128xf32>
      %add3A_682 = arith.addf %add3A_675, %get3A_678 : vector<256x128xf32>
      %get3A_683 = arith.constant 0 : index
      %get3A_684 = arith.constant 7296 : index
      %get3A_685 = vector.load %arg2[%get3A_683, %get3A_684] : memref<256x8192xf32, #tpu.memory_space<vmem>>, vector<256x128xf32>
      %sub3A_686 = arith.subf %get3A_685, %max3A_267 : vector<256x128xf32>
      %exp3A_687 = math.exp %sub3A_686 : vector<256x128xf32>
      %add3A_688 = arith.addf %add3A_681, %exp3A_687 : vector<256x128xf32>
      %add3A_689 = arith.addf %add3A_682, %get3A_685 : vector<256x128xf32>
      %get3A_690 = arith.constant 0 : index
      %get3A_691 = arith.constant 7424 : index
      %get3A_692 = vector.load %arg2[%get3A_690, %get3A_691] : memref<256x8192xf32, #tpu.memory_space<vmem>>, vector<256x128xf32>
      %sub3A_693 = arith.subf %get3A_692, %max3A_267 : vector<256x128xf32>
      %exp3A_694 = math.exp %sub3A_693 : vector<256x128xf32>
      %add3A_695 = arith.addf %add3A_688, %exp3A_694 : vector<256x128xf32>
      %add3A_696 = arith.addf %add3A_689, %get3A_692 : vector<256x128xf32>
      %get3A_697 = arith.constant 0 : index
      %get3A_698 = arith.constant 7552 : index
      %get3A_699 = vector.load %arg2[%get3A_697, %get3A_698] : memref<256x8192xf32, #tpu.memory_space<vmem>>, vector<256x128xf32>
      %sub3A_700 = arith.subf %get3A_699, %max3A_267 : vector<256x128xf32>
      %exp3A_701 = math.exp %sub3A_700 : vector<256x128xf32>
      %add3A_702 = arith.addf %add3A_695, %exp3A_701 : vector<256x128xf32>
      %add3A_703 = arith.addf %add3A_696, %get3A_699 : vector<256x128xf32>
      %get3A_704 = arith.constant 0 : index
      %get3A_705 = arith.constant 7680 : index
      %get3A_706 = vector.load %arg2[%get3A_704, %get3A_705] : memref<256x8192xf32, #tpu.memory_space<vmem>>, vector<256x128xf32>
      %sub3A_707 = arith.subf %get3A_706, %max3A_267 : vector<256x128xf32>
      %exp3A_708 = math.exp %sub3A_707 : vector<256x128xf32>
      %add3A_709 = arith.addf %add3A_702, %exp3A_708 : vector<256x128xf32>
      %add3A_710 = arith.addf %add3A_703, %get3A_706 : vector<256x128xf32>
      %get3A_711 = arith.constant 0 : index
      %get3A_712 = arith.constant 7808 : index
      %get3A_713 = vector.load %arg2[%get3A_711, %get3A_712] : memref<256x8192xf32, #tpu.memory_space<vmem>>, vector<256x128xf32>
      %sub3A_714 = arith.subf %get3A_713, %max3A_267 : vector<256x128xf32>
      %exp3A_715 = math.exp %sub3A_714 : vector<256x128xf32>
      %add3A_716 = arith.addf %add3A_709, %exp3A_715 : vector<256x128xf32>
      %add3A_717 = arith.addf %add3A_710, %get3A_713 : vector<256x128xf32>
      %get3A_718 = arith.constant 0 : index
      %get3A_719 = arith.constant 7936 : index
      %get3A_720 = vector.load %arg2[%get3A_718, %get3A_719] : memref<256x8192xf32, #tpu.memory_space<vmem>>, vector<256x128xf32>
      %sub3A_721 = arith.subf %get3A_720, %max3A_267 : vector<256x128xf32>
      %exp3A_722 = math.exp %sub3A_721 : vector<256x128xf32>
      %add3A_723 = arith.addf %add3A_716, %exp3A_722 : vector<256x128xf32>
      %add3A_724 = arith.addf %add3A_717, %get3A_720 : vector<256x128xf32>
      %get3A_725 = arith.constant 0 : index
      %get3A_726 = arith.constant 8064 : index
      %get3A_727 = vector.load %arg2[%get3A_725, %get3A_726] : memref<256x8192xf32, #tpu.memory_space<vmem>>, vector<256x128xf32>
      %sub3A_728 = arith.subf %get3A_727, %max3A_267 : vector<256x128xf32>
      %exp3A_729 = math.exp %sub3A_728 : vector<256x128xf32>
      %add3A_730 = arith.addf %add3A_723, %exp3A_729 : vector<256x128xf32>
      %add3A_731 = arith.addf %add3A_724, %get3A_727 : vector<256x128xf32>
      %swap3A_732 = arith.constant 0 : index
      %swap3A_733 = arith.constant 0 : index
      %swap3A_734 = vector.load %arg7[%swap3A_732, %swap3A_733] : memref<256x128xf32, #tpu.memory_space<vmem>>, vector<256x128xf32>
      tpu.vector_store %arg7[%swap3A_732, %swap3A_733], %add3A_730 {strides = array<i32>} : memref<256x128xf32, #tpu.memory_space<vmem>>, vector<256x128xf32>,
      %swap3A_735 = arith.constant 0 : index
      %swap3A_736 = arith.constant 0 : index
      %swap3A_737 = vector.load %arg8[%swap3A_735, %swap3A_736] : memref<256x128xf32, #tpu.memory_space<vmem>>, vector<256x128xf32>
      tpu.vector_store %arg8[%swap3A_735, %swap3A_736], %add3A_731 {strides = array<i32>} : memref<256x128xf32, #tpu.memory_space<vmem>>, vector<256x128xf32>,
    } else {
    }
    %eq3A_6 = arith.constant 12 : i32
    %eq3A_7 = arith.cmpi eq, %arg1, %eq3A_6 : i32
    %convert_element_type3A_8 = arith.extui %eq3A_7 : i1 to i32
    %cond3A_9 = arith.constant 0 : i32
    %cond3A_10 = arith.cmpi ne, %convert_element_type3A_8, %cond3A_9 : i32
    scf.if %cond3A_10 {
      %get3A = arith.constant 0 : index
      %get3A_11 = arith.constant 0 : index
      %get3A_12 = vector.load %arg2[%get3A, %get3A_11] : memref<256x8192xf32, #tpu.memory_space<vmem>>, vector<256x128xf32>
      %get3A_13 = arith.constant 0 : index
      %get3A_14 = arith.constant 128 : index
      %get3A_15 = vector.load %arg2[%get3A_13, %get3A_14] : memref<256x8192xf32, #tpu.memory_space<vmem>>, vector<256x128xf32>
      %max3A = arith.maximumf %get3A_12, %get3A_15 : vector<256x128xf32>
      %get3A_16 = arith.constant 0 : index
      %get3A_17 = arith.constant 256 : index
      %get3A_18 = vector.load %arg2[%get3A_16, %get3A_17] : memref<256x8192xf32, #tpu.memory_space<vmem>>, vector<256x128xf32>
      %max3A_19 = arith.maximumf %max3A, %get3A_18 : vector<256x128xf32>
      %get3A_20 = arith.constant 0 : index
      %get3A_21 = arith.constant 384 : index
      %get3A_22 = vector.load %arg2[%get3A_20, %get3A_21] : memref<256x8192xf32, #tpu.memory_space<vmem>>, vector<256x128xf32>
      %max3A_23 = arith.maximumf %max3A_19, %get3A_22 : vector<256x128xf32>
      %get3A_24 = arith.constant 0 : index
      %get3A_25 = arith.constant 512 : index
      %get3A_26 = vector.load %arg2[%get3A_24, %get3A_25] : memref<256x8192xf32, #tpu.memory_space<vmem>>, vector<256x128xf32>
      %max3A_27 = arith.maximumf %max3A_23, %get3A_26 : vector<256x128xf32>
      %get3A_28 = arith.constant 0 : index
      %get3A_29 = arith.constant 640 : index
      %get3A_30 = vector.load %arg2[%get3A_28, %get3A_29] : memref<256x8192xf32, #tpu.memory_space<vmem>>, vector<256x128xf32>
      %max3A_31 = arith.maximumf %max3A_27, %get3A_30 : vector<256x128xf32>
      %get3A_32 = arith.constant 0 : index
      %get3A_33 = arith.constant 768 : index
      %get3A_34 = vector.load %arg2[%get3A_32, %get3A_33] : memref<256x8192xf32, #tpu.memory_space<vmem>>, vector<256x128xf32>
      %max3A_35 = arith.maximumf %max3A_31, %get3A_34 : vector<256x128xf32>
      %get3A_36 = arith.constant 0 : index
      %get3A_37 = arith.constant 896 : index
      %get3A_38 = vector.load %arg2[%get3A_36, %get3A_37] : memref<256x8192xf32, #tpu.memory_space<vmem>>, vector<256x128xf32>
      %max3A_39 = arith.maximumf %max3A_35, %get3A_38 : vector<256x128xf32>
      %get3A_40 = arith.constant 0 : index
      %get3A_41 = arith.constant 1024 : index
      %get3A_42 = vector.load %arg2[%get3A_40, %get3A_41] : memref<256x8192xf32, #tpu.memory_space<vmem>>, vector<256x128xf32>
      %max3A_43 = arith.maximumf %max3A_39, %get3A_42 : vector<256x128xf32>
      %get3A_44 = arith.constant 0 : index
      %get3A_45 = arith.constant 1152 : index
      %get3A_46 = vector.load %arg2[%get3A_44, %get3A_45] : memref<256x8192xf32, #tpu.memory_space<vmem>>, vector<256x128xf32>
      %max3A_47 = arith.maximumf %max3A_43, %get3A_46 : vector<256x128xf32>
      %get3A_48 = arith.constant 0 : index
      %get3A_49 = arith.constant 1280 : index
      %get3A_50 = vector.load %arg2[%get3A_48, %get3A_49] : memref<256x8192xf32, #tpu.memory_space<vmem>>, vector<256x128xf32>
      %max3A_51 = arith.maximumf %max3A_47, %get3A_50 : vector<256x128xf32>
      %get3A_52 = arith.constant 0 : index
      %get3A_53 = arith.constant 1408 : index
      %get3A_54 = vector.load %arg2[%get3A_52, %get3A_53] : memref<256x8192xf32, #tpu.memory_space<vmem>>, vector<256x128xf32>
      %max3A_55 = arith.maximumf %max3A_51, %get3A_54 : vector<256x128xf32>
      %get3A_56 = arith.constant 0 : index
      %get3A_57 = arith.constant 1536 : index
      %get3A_58 = vector.load %arg2[%get3A_56, %get3A_57] : memref<256x8192xf32, #tpu.memory_space<vmem>>, vector<256x128xf32>
      %max3A_59 = arith.maximumf %max3A_55, %get3A_58 : vector<256x128xf32>
      %lt3A_60 = arith.constant 32 : i32
      %lt3A_61 = vector.broadcast %lt3A_60 : i32 to vector<256x128xi32>
      %lt3A_62 = arith.cmpi slt, %iota3A, %lt3A_61 : vector<256x128xi32>
      %get3A_63 = arith.constant 0 : index
      %get3A_64 = arith.constant 1664 : index
      %get3A_65 = vector.load %arg2[%get3A_63, %get3A_64] : memref<256x8192xf32, #tpu.memory_space<vmem>>, vector<256x128xf32>
      %jit3A = arith.constant 0xFF800000 : f32
      %broadcast_in_dim3A = vector.broadcast %jit3A : f32 to vector<256x128xf32>
      %select_n3A = arith.select %lt3A_62, %get3A_65, %broadcast_in_dim3A : vector<256x128xi1>, vector<256x128xf32>
      %max3A_66 = arith.maximumf %max3A_59, %select_n3A : vector<256x128xf32>
      %get3A_67 = arith.constant 0 : index
      %get3A_68 = arith.constant 0 : index
      %get3A_69 = vector.load %arg6[%get3A_67, %get3A_68] : memref<256x128xf32, #tpu.memory_space<vmem>>, vector<256x128xf32>
      %max3A_70 = arith.maximumf %get3A_69, %max3A_66 : vector<256x128xf32>
      %get3A_71 = arith.constant 0 : index
      %get3A_72 = arith.constant 0 : index
      %get3A_73 = vector.load %arg7[%get3A_71, %get3A_72] : memref<256x128xf32, #tpu.memory_space<vmem>>, vector<256x128xf32>
      %get3A_74 = arith.constant 0 : index
      %get3A_75 = arith.constant 0 : index
      %get3A_76 = vector.load %arg6[%get3A_74, %get3A_75] : memref<256x128xf32, #tpu.memory_space<vmem>>, vector<256x128xf32>
      %sub3A = arith.subf %get3A_76, %max3A_70 : vector<256x128xf32>
      %exp3A = math.exp %sub3A : vector<256x128xf32>
      %mul3A = arith.mulf %get3A_73, %exp3A : vector<256x128xf32>
      %swap3A = arith.constant 0 : index
      %swap3A_77 = arith.constant 0 : index
      %swap3A_78 = vector.load %arg7[%swap3A, %swap3A_77] : memref<256x128xf32, #tpu.memory_space<vmem>>, vector<256x128xf32>
      tpu.vector_store %arg7[%swap3A, %swap3A_77], %mul3A {strides = array<i32>} : memref<256x128xf32, #tpu.memory_space<vmem>>, vector<256x128xf32>,
      %swap3A_79 = arith.constant 0 : index
      %swap3A_80 = arith.constant 0 : index
      %swap3A_81 = vector.load %arg6[%swap3A_79, %swap3A_80] : memref<256x128xf32, #tpu.memory_space<vmem>>, vector<256x128xf32>
      tpu.vector_store %arg6[%swap3A_79, %swap3A_80], %max3A_70 {strides = array<i32>} : memref<256x128xf32, #tpu.memory_space<vmem>>, vector<256x128xf32>,
      %get3A_82 = arith.constant 0 : index
      %get3A_83 = arith.constant 0 : index
      %get3A_84 = vector.load %arg7[%get3A_82, %get3A_83] : memref<256x128xf32, #tpu.memory_space<vmem>>, vector<256x128xf32>
      %get3A_85 = arith.constant 0 : index
      %get3A_86 = arith.constant 0 : index
      %get3A_87 = vector.load %arg8[%get3A_85, %get3A_86] : memref<256x128xf32, #tpu.memory_space<vmem>>, vector<256x128xf32>
      %get3A_88 = arith.constant 0 : index
      %get3A_89 = arith.constant 0 : index
      %get3A_90 = vector.load %arg2[%get3A_88, %get3A_89] : memref<256x8192xf32, #tpu.memory_space<vmem>>, vector<256x128xf32>
      %sub3A_91 = arith.subf %get3A_90, %max3A_70 : vector<256x128xf32>
      %exp3A_92 = math.exp %sub3A_91 : vector<256x128xf32>
      %add3A = arith.addf %get3A_84, %exp3A_92 : vector<256x128xf32>
      %add3A_93 = arith.addf %get3A_87, %get3A_90 : vector<256x128xf32>
      %get3A_94 = arith.constant 0 : index
      %get3A_95 = arith.constant 128 : index
      %get3A_96 = vector.load %arg2[%get3A_94, %get3A_95] : memref<256x8192xf32, #tpu.memory_space<vmem>>, vector<256x128xf32>
      %sub3A_97 = arith.subf %get3A_96, %max3A_70 : vector<256x128xf32>
      %exp3A_98 = math.exp %sub3A_97 : vector<256x128xf32>
      %add3A_99 = arith.addf %add3A, %exp3A_98 : vector<256x128xf32>
      %add3A_100 = arith.addf %add3A_93, %get3A_96 : vector<256x128xf32>
      %get3A_101 = arith.constant 0 : index
      %get3A_102 = arith.constant 256 : index
      %get3A_103 = vector.load %arg2[%get3A_101, %get3A_102] : memref<256x8192xf32, #tpu.memory_space<vmem>>, vector<256x128xf32>
      %sub3A_104 = arith.subf %get3A_103, %max3A_70 : vector<256x128xf32>
      %exp3A_105 = math.exp %sub3A_104 : vector<256x128xf32>
      %add3A_106 = arith.addf %add3A_99, %exp3A_105 : vector<256x128xf32>
      %add3A_107 = arith.addf %add3A_100, %get3A_103 : vector<256x128xf32>
      %get3A_108 = arith.constant 0 : index
      %get3A_109 = arith.constant 384 : index
      %get3A_110 = vector.load %arg2[%get3A_108, %get3A_109] : memref<256x8192xf32, #tpu.memory_space<vmem>>, vector<256x128xf32>
      %sub3A_111 = arith.subf %get3A_110, %max3A_70 : vector<256x128xf32>
      %exp3A_112 = math.exp %sub3A_111 : vector<256x128xf32>
      %add3A_113 = arith.addf %add3A_106, %exp3A_112 : vector<256x128xf32>
      %add3A_114 = arith.addf %add3A_107, %get3A_110 : vector<256x128xf32>
      %get3A_115 = arith.constant 0 : index
      %get3A_116 = arith.constant 512 : index
      %get3A_117 = vector.load %arg2[%get3A_115, %get3A_116] : memref<256x8192xf32, #tpu.memory_space<vmem>>, vector<256x128xf32>
      %sub3A_118 = arith.subf %get3A_117, %max3A_70 : vector<256x128xf32>
      %exp3A_119 = math.exp %sub3A_118 : vector<256x128xf32>
      %add3A_120 = arith.addf %add3A_113, %exp3A_119 : vector<256x128xf32>
      %add3A_121 = arith.addf %add3A_114, %get3A_117 : vector<256x128xf32>
      %get3A_122 = arith.constant 0 : index
      %get3A_123 = arith.constant 640 : index
      %get3A_124 = vector.load %arg2[%get3A_122, %get3A_123] : memref<256x8192xf32, #tpu.memory_space<vmem>>, vector<256x128xf32>
      %sub3A_125 = arith.subf %get3A_124, %max3A_70 : vector<256x128xf32>
      %exp3A_126 = math.exp %sub3A_125 : vector<256x128xf32>
      %add3A_127 = arith.addf %add3A_120, %exp3A_126 : vector<256x128xf32>
      %add3A_128 = arith.addf %add3A_121, %get3A_124 : vector<256x128xf32>
      %get3A_129 = arith.constant 0 : index
      %get3A_130 = arith.constant 768 : index
      %get3A_131 = vector.load %arg2[%get3A_129, %get3A_130] : memref<256x8192xf32, #tpu.memory_space<vmem>>, vector<256x128xf32>
      %sub3A_132 = arith.subf %get3A_131, %max3A_70 : vector<256x128xf32>
      %exp3A_133 = math.exp %sub3A_132 : vector<256x128xf32>
      %add3A_134 = arith.addf %add3A_127, %exp3A_133 : vector<256x128xf32>
      %add3A_135 = arith.addf %add3A_128, %get3A_131 : vector<256x128xf32>
      %get3A_136 = arith.constant 0 : index
      %get3A_137 = arith.constant 896 : index
      %get3A_138 = vector.load %arg2[%get3A_136, %get3A_137] : memref<256x8192xf32, #tpu.memory_space<vmem>>, vector<256x128xf32>
      %sub3A_139 = arith.subf %get3A_138, %max3A_70 : vector<256x128xf32>
      %exp3A_140 = math.exp %sub3A_139 : vector<256x128xf32>
      %add3A_141 = arith.addf %add3A_134, %exp3A_140 : vector<256x128xf32>
      %add3A_142 = arith.addf %add3A_135, %get3A_138 : vector<256x128xf32>
      %get3A_143 = arith.constant 0 : index
      %get3A_144 = arith.constant 1024 : index
      %get3A_145 = vector.load %arg2[%get3A_143, %get3A_144] : memref<256x8192xf32, #tpu.memory_space<vmem>>, vector<256x128xf32>
      %sub3A_146 = arith.subf %get3A_145, %max3A_70 : vector<256x128xf32>
      %exp3A_147 = math.exp %sub3A_146 : vector<256x128xf32>
      %add3A_148 = arith.addf %add3A_141, %exp3A_147 : vector<256x128xf32>
      %add3A_149 = arith.addf %add3A_142, %get3A_145 : vector<256x128xf32>
      %get3A_150 = arith.constant 0 : index
      %get3A_151 = arith.constant 1152 : index
      %get3A_152 = vector.load %arg2[%get3A_150, %get3A_151] : memref<256x8192xf32, #tpu.memory_space<vmem>>, vector<256x128xf32>
      %sub3A_153 = arith.subf %get3A_152, %max3A_70 : vector<256x128xf32>
      %exp3A_154 = math.exp %sub3A_153 : vector<256x128xf32>
      %add3A_155 = arith.addf %add3A_148, %exp3A_154 : vector<256x128xf32>
      %add3A_156 = arith.addf %add3A_149, %get3A_152 : vector<256x128xf32>
      %get3A_157 = arith.constant 0 : index
      %get3A_158 = arith.constant 1280 : index
      %get3A_159 = vector.load %arg2[%get3A_157, %get3A_158] : memref<256x8192xf32, #tpu.memory_space<vmem>>, vector<256x128xf32>
      %sub3A_160 = arith.subf %get3A_159, %max3A_70 : vector<256x128xf32>
      %exp3A_161 = math.exp %sub3A_160 : vector<256x128xf32>
      %add3A_162 = arith.addf %add3A_155, %exp3A_161 : vector<256x128xf32>
      %add3A_163 = arith.addf %add3A_156, %get3A_159 : vector<256x128xf32>
      %get3A_164 = arith.constant 0 : index
      %get3A_165 = arith.constant 1408 : index
      %get3A_166 = vector.load %arg2[%get3A_164, %get3A_165] : memref<256x8192xf32, #tpu.memory_space<vmem>>, vector<256x128xf32>
      %sub3A_167 = arith.subf %get3A_166, %max3A_70 : vector<256x128xf32>
      %exp3A_168 = math.exp %sub3A_167 : vector<256x128xf32>
      %add3A_169 = arith.addf %add3A_162, %exp3A_168 : vector<256x128xf32>
      %add3A_170 = arith.addf %add3A_163, %get3A_166 : vector<256x128xf32>
      %get3A_171 = arith.constant 0 : index
      %get3A_172 = arith.constant 1536 : index
      %get3A_173 = vector.load %arg2[%get3A_171, %get3A_172] : memref<256x8192xf32, #tpu.memory_space<vmem>>, vector<256x128xf32>
      %sub3A_174 = arith.subf %get3A_173, %max3A_70 : vector<256x128xf32>
      %exp3A_175 = math.exp %sub3A_174 : vector<256x128xf32>
      %add3A_176 = arith.addf %add3A_169, %exp3A_175 : vector<256x128xf32>
      %add3A_177 = arith.addf %add3A_170, %get3A_173 : vector<256x128xf32>
      %get3A_178 = arith.constant 0 : index
      %get3A_179 = arith.constant 1664 : index
      %get3A_180 = vector.load %arg2[%get3A_178, %get3A_179] : memref<256x8192xf32, #tpu.memory_space<vmem>>, vector<256x128xf32>
      %lt3A_181 = arith.constant 32 : i32
      %lt3A_182 = vector.broadcast %lt3A_181 : i32 to vector<256x128xi32>
      %lt3A_183 = arith.cmpi slt, %iota3A, %lt3A_182 : vector<256x128xi32>
      %jit3A_184 = arith.constant 0xFF800000 : f32
      %broadcast_in_dim3A_185 = vector.broadcast %jit3A_184 : f32 to vector<256x128xf32>
      %select_n3A_186 = arith.select %lt3A_183, %get3A_180, %broadcast_in_dim3A_185 : vector<256x128xi1>, vector<256x128xf32>
      %lt3A_187 = arith.constant 32 : i32
      %lt3A_188 = vector.broadcast %lt3A_187 : i32 to vector<256x128xi32>
      %lt3A_189 = arith.cmpi slt, %iota3A, %lt3A_188 : vector<256x128xi32>
      %jit3A_190 = arith.constant 0.000000e+00 : f32
      %broadcast_in_dim3A_191 = vector.broadcast %jit3A_190 : f32 to vector<256x128xf32>
      %select_n3A_192 = arith.select %lt3A_189, %get3A_180, %broadcast_in_dim3A_191 : vector<256x128xi1>, vector<256x128xf32>
      %sub3A_193 = arith.subf %select_n3A_186, %max3A_70 : vector<256x128xf32>
      %exp3A_194 = math.exp %sub3A_193 : vector<256x128xf32>
      %add3A_195 = arith.addf %add3A_176, %exp3A_194 : vector<256x128xf32>
      %add3A_196 = arith.addf %add3A_177, %select_n3A_192 : vector<256x128xf32>
      %swap3A_197 = arith.constant 0 : index
      %swap3A_198 = arith.constant 0 : index
      %swap3A_199 = vector.load %arg7[%swap3A_197, %swap3A_198] : memref<256x128xf32, #tpu.memory_space<vmem>>, vector<256x128xf32>
      tpu.vector_store %arg7[%swap3A_197, %swap3A_198], %add3A_195 {strides = array<i32>} : memref<256x128xf32, #tpu.memory_space<vmem>>, vector<256x128xf32>,
      %swap3A_200 = arith.constant 0 : index
      %swap3A_201 = arith.constant 0 : index
      %swap3A_202 = vector.load %arg8[%swap3A_200, %swap3A_201] : memref<256x128xf32, #tpu.memory_space<vmem>>, vector<256x128xf32>
      tpu.vector_store %arg8[%swap3A_200, %swap3A_201], %add3A_196 {strides = array<i32>} : memref<256x128xf32, #tpu.memory_space<vmem>>, vector<256x128xf32>,
      %log3A = arith.constant 1.000020e-06 : f32
      %log3A_203 = math.log %log3A : f32
      %mul3A_204 = arith.constant 1.000000e-01 : f32
      %mul3A_205 = arith.mulf %mul3A_204, %log3A_203 : f32
      %log3A_206 = arith.constant 0.899999976 : f32
      %log3A_207 = math.log %log3A_206 : f32
      %mul3A_208 = arith.constant 0.899999976 : f32
      %mul3A_209 = arith.mulf %mul3A_208, %log3A_207 : f32
      %add3A_210 = arith.addf %mul3A_205, %mul3A_209 : f32
      %get3A_211 = arith.constant 0 : index
      %get3A_212 = arith.constant 0 : index
      %get3A_213 = vector.load %arg6[%get3A_211, %get3A_212] : memref<256x128xf32, #tpu.memory_space<vmem>>, vector<256x128xf32>
      %reduce_max3A = arith.constant dense<0xFF800000> : vector<256xf32>
      %reduce_max3A_214 = vector.multi_reduction <maximumf>, %get3A_213, %reduce_max3A [1] : vector<256x128xf32> to vector<256xf32>
      %broadcast_in_dim3A_215 = vector.shape_cast %reduce_max3A_214 : vector<256xf32> to vector<256x1xf32>
      %get3A_216 = arith.constant 0 : index
      %get3A_217 = arith.constant 0 : index
      %get3A_218 = vector.load %arg7[%get3A_216, %get3A_217] : memref<256x128xf32, #tpu.memory_space<vmem>>, vector<256x128xf32>
      %sub3A_219 = vector.broadcast %broadcast_in_dim3A_215 : vector<256x1xf32> to vector<256x128xf32>
      %sub3A_220 = arith.subf %get3A_213, %sub3A_219 : vector<256x128xf32>
      %exp3A_221 = math.exp %sub3A_220 : vector<256x128xf32>
      %mul3A_222 = arith.mulf %get3A_218, %exp3A_221 : vector<256x128xf32>
      %reduce_sum3A = arith.constant dense<0.000000e+00> : vector<256xf32>
      %reduce_sum3A_223 = vector.multi_reduction <add>, %mul3A_222, %reduce_sum3A [1] : vector<256x128xf32> to vector<256xf32>
      %broadcast_in_dim3A_224 = vector.shape_cast %reduce_sum3A_223 : vector<256xf32> to vector<256x1xf32>
      %log3A_225 = math.log %broadcast_in_dim3A_224 : vector<256x1xf32>
      %add3A_226 = arith.addf %broadcast_in_dim3A_215, %log3A_225 : vector<256x1xf32>
      %get3A_227 = arith.constant 0 : index
      %get3A_228 = arith.constant 0 : index
      %get3A_229 = vector.load %arg3[%get3A_227, %get3A_228] : memref<256x1xi32, #tpu.memory_space<vmem>>, vector<256x1xi32>
      %iota3A_230 = tpu.iota {dimensions = array<i32: 1>} : vector<256x16xi32>
      %jit3A_231 = arith.constant 16 : i32
      %eq3A_232 = arith.constant 0 : i32
      %eq3A_233 = arith.cmpi eq, %jit3A_231, %eq3A_232 : i32
      %jit3A_234 = arith.constant 1 : i32
      %select_n3A_235 = arith.select %eq3A_233, %jit3A_234, %jit3A_231 : i32
      %rem3A = vector.broadcast %select_n3A_235 : i32 to vector<256x1xi32>
      %rem3A_236 = arith.remsi %get3A_229, %rem3A : vector<256x1xi32>
      %ne3A = arith.constant 0 : i32
      %ne3A_237 = vector.broadcast %ne3A : i32 to vector<256x1xi32>
      %ne3A_238 = arith.cmpi ne, %rem3A_236, %ne3A_237 : vector<256x1xi32>
      %lt3A_239 = arith.constant 0 : i32
      %lt3A_240 = vector.broadcast %lt3A_239 : i32 to vector<256x1xi32>
      %lt3A_241 = arith.cmpi slt, %rem3A_236, %lt3A_240 : vector<256x1xi32>
      %lt3A_242 = arith.constant 0 : i32
      %lt3A_243 = arith.cmpi slt, %select_n3A_235, %lt3A_242 : i32
      %ne3A_244 = vector.broadcast %lt3A_243 : i1 to vector<256x1xi1>
      %ne3A_245 = vector.broadcast %ne3A_244 : vector<256x1xi1> to vector<256x1xi1>
      %ne3A_246 = arith.xori %lt3A_241, %ne3A_245 : vector<256x1xi1>
      %and3A = arith.andi %ne3A_246, %ne3A_238 : vector<256x1xi1>
      %add3A_247 = vector.broadcast %select_n3A_235 : i32 to vector<256x1xi32>
      %add3A_248 = arith.addi %rem3A_236, %add3A_247 : vector<256x1xi32>
      %select_n3A_249 = arith.select %and3A, %add3A_248, %rem3A_236 : vector<256x1xi1>, vector<256x1xi32>
      %eq3A_250 = vector.broadcast %select_n3A_249 : vector<256x1xi32> to vector<256x16xi32>
      %eq3A_251 = arith.cmpi eq, %iota3A_230, %eq3A_250 : vector<256x16xi32>
      %get3A_252 = arith.constant 0 : index
      %get3A_253 = arith.constant 0 : index
      %get3A_254 = vector.load %arg4[%get3A_252, %get3A_253] : memref<256x16xf32, #tpu.memory_space<vmem>>, vector<256x16xf32>
      %jit3A_255 = arith.constant 0.000000e+00 : f32
      %broadcast_in_dim3A_256 = vector.broadcast %jit3A_255 : f32 to vector<256x16xf32>
      %select_n3A_257 = arith.select %eq3A_251, %get3A_254, %broadcast_in_dim3A_256 : vector<256x16xi1>, vector<256x16xf32>
      %reduce_sum3A_258 = arith.constant dense<0.000000e+00> : vector<256xf32>
      %reduce_sum3A_259 = vector.multi_reduction <add>, %select_n3A_257, %reduce_sum3A_258 [1] : vector<256x16xf32> to vector<256xf32>
      %broadcast_in_dim3A_260 = vector.shape_cast %reduce_sum3A_259 : vector<256xf32> to vector<256x1xf32>
      %get3A_261 = arith.constant 0 : index
      %get3A_262 = arith.constant 0 : index
      %get3A_263 = vector.load %arg8[%get3A_261, %get3A_262] : memref<256x128xf32, #tpu.memory_space<vmem>>, vector<256x128xf32>
      %reduce_sum3A_264 = arith.constant dense<0.000000e+00> : vector<256xf32>
      %reduce_sum3A_265 = vector.multi_reduction <add>, %get3A_263, %reduce_sum3A_264 [1] : vector<256x128xf32> to vector<256xf32>
      %broadcast_in_dim3A_266 = vector.shape_cast %reduce_sum3A_265 : vector<256xf32> to vector<256x1xf32>
      %get3A_267 = arith.constant 0 : index
      %get3A_268 = arith.constant 0 : index
      %get3A_269 = vector.load %arg9[%get3A_267, %get3A_268] : memref<256x1xf32, #tpu.memory_space<vmem>>, vector<256x1xf32>
      %sub3A_270 = arith.subf %broadcast_in_dim3A_266, %get3A_269 : vector<256x1xf32>
      %sub3A_271 = arith.subf %sub3A_270, %broadcast_in_dim3A_260 : vector<256x1xf32>
      %mul3A_272 = arith.constant 9.999800e+04 : f32
      %mul3A_273 = vector.broadcast %mul3A_272 : f32 to vector<256x1xf32>
      %mul3A_274 = arith.mulf %mul3A_273, %add3A_226 : vector<256x1xf32>
      %sub3A_275 = arith.subf %sub3A_271, %mul3A_274 : vector<256x1xf32>
      %mul3A_276 = arith.constant 1.000020e-06 : f32
      %mul3A_277 = vector.broadcast %mul3A_276 : f32 to vector<256x1xf32>
      %mul3A_278 = arith.mulf %mul3A_277, %sub3A_275 : vector<256x1xf32>
      %sub3A_279 = vector.broadcast %add3A_210 : f32 to vector<256x1xf32>
      %sub3A_280 = arith.subf %sub3A_279, %mul3A_278 : vector<256x1xf32>
      %sub3A_281 = arith.subf %broadcast_in_dim3A_260, %add3A_226 : vector<256x1xf32>
      %mul3A_282 = arith.constant 0.899999976 : f32
      %mul3A_283 = vector.broadcast %mul3A_282 : f32 to vector<256x1xf32>
      %mul3A_284 = arith.mulf %mul3A_283, %sub3A_281 : vector<256x1xf32>
      %sub3A_285 = arith.subf %sub3A_280, %mul3A_284 : vector<256x1xf32>
      %ne3A_286 = arith.constant 0 : i32
      %ne3A_287 = vector.broadcast %ne3A_286 : i32 to vector<256x1xi32>
      %ne3A_288 = arith.cmpi ne, %get3A_229, %ne3A_287 : vector<256x1xi32>
      %jit3A_289 = arith.constant 0.000000e+00 : f32
      %broadcast_in_dim3A_290 = vector.broadcast %jit3A_289 : f32 to vector<256x1xf32>
      %select_n3A_291 = arith.select %ne3A_288, %sub3A_285, %broadcast_in_dim3A_290 : vector<256x1xi1>, vector<256x1xf32>
      %reduce_sum3A_292 = vector.shape_cast %select_n3A_291 : vector<256x1xf32> to vector<1x256x1xf32>
      %reduce_sum3A_293 = arith.constant dense<0.000000e+00> : vector<1xf32>
      %reduce_sum3A_294 = vector.multi_reduction <add>, %reduce_sum3A_292, %reduce_sum3A_293 [1, 2] : vector<1x256x1xf32> to vector<1xf32>
      %reduce_sum3A_295 = vector.shape_cast %reduce_sum3A_294 : vector<1xf32> to vector<1x1x1xf32>
      %reduce_sum3A_296 = vector.extract %reduce_sum3A_295[0, 0, 0] : f32 from vector<1x1x1xf32>
      %broadcast_in_dim3A_297 = vector.broadcast %reduce_sum3A_296 : f32 to vector<1x1xf32>
      %broadcast_in_dim3A_298 = vector.shape_cast %broadcast_in_dim3A_297 : vector<1x1xf32> to vector<1x1x1xf32>
      %swap3A_299 = arith.constant 0 : index
      %swap3A_300 = arith.constant 0 : index
      %swap3A_301 = arith.constant 0 : index
      %swap3A_302 = vector.load %arg5[%swap3A_299, %swap3A_300, %swap3A_301] : memref<1x1x1xf32, #tpu.memory_space<vmem>>, vector<1x1x1xf32>
      tpu.vector_store %arg5[%swap3A_299, %swap3A_300, %swap3A_301], %broadcast_in_dim3A_298 {strides = array<i32>} : memref<1x1x1xf32, #tpu.memory_space<vmem>>, vector<1x1x1xf32>,
    } else {
    }
    return
  }
  func.func @transform_0(%arg0: i32, %arg1: i32) -> (i32, i32) {
    %c0_i32 = arith.constant 0 : i32
    return %arg0, %arg1 : i32, i32
  }
  func.func @transform_1(%arg0: i32, %arg1: i32) -> (i32, i32) {
    %c0_i32 = arith.constant 0 : i32
    %c0_i32_0 = arith.constant 0 : i32
    return %arg0, %c0_i32 : i32, i32
  }
  func.func @transform_2(%arg0: i32, %arg1: i32) -> (i32, i32) {
    %c0_i32 = arith.constant 0 : i32
    %c0_i32_0 = arith.constant 0 : i32
    return %arg0, %c0_i32 : i32, i32
  }
  func.func @transform_3(%arg0: i32, %arg1: i32) -> (i32, i32, i32) {
    %c0_i32 = arith.constant 0 : i32
    %c0_i32_0 = arith.constant 0 : i32
    %c0_i32_1 = arith.constant 0 : i32
    return %arg0, %c0_i32, %c0_i32_0 : i32, i32, i32
  }
}

</mosaic_0001>

<sc_bundles>
// kernel: kernel.4.cloned.1.call-start
scs
__scs_entry_jumppad:
0x0: {  	(pc) =	sbr.rel $0x88, $3  }
0x1: {  	(tag) =	ssettag $0x0;
	lr =	simm.s32 $0x1  }
0x2: {  	[smem:$0x3F9F] =	sst lr;
	_ =	strace $0xD0000000  }
0x3: {  	_ = 	snop  }
0x4: {  	_ = 	snop  }
0x5: {  	_ = 	snop  }
0x6: {  	_ = 	snop  }
0x7: {  	_ = 	snop  }
__scs_overlays_trampoline_lowered:
0x8: {  	[smem:$0x3FAE] =	sst s0  }
0x9: {  	[smem:$0x3FAF] =	sst s1  }
0xa: {  	[smem:$0x3FB0] =	sst s2  }
0xb: {  	[smem:$0x3FB1] =	sst s3  }
0xc: {  	[smem:$0x3FB2] =	sst s4  }
0xd: {  	[smem:$0x3FB3] =	sst s5  }
0xe: {  	[smem:$0x3FB4] =	sst s6  }
0xf: {  	[smem:$0x3FB5] =	sst s7  }
0x10: {  	[smem:$0x3FB6] =	sst s8  }
0x11: {  	[smem:$0x3FB7] =	sst s9;
	s0 =	simm.s32 @!p0 $0x0  }
0x12: {  	s1 =	sld [smem:$0x3F9D];
	s0 =	simm.s32 @p0 $0x1  }
0x13: {  	[smem:$0x3FB8] =	sst s0;
	s0 =	simm.s32 @!p1 $0x0  }
0x14: {  	s2 =	sld [smem:$0x3F9C];
	s0 =	simm.s32 @p1 $0x1  }
0x15: {  	[smem:$0x3FB9] =	sst s0;
	s0 =	simm.s32 @!p2 $0x0  }
0x16: {  	s3 =	sld [smem:$0x3FDB];
	s0 =	simm.s32 @p2 $0x1  }
0x17: {  	s4 =	simm.s32 $0x1BF5;
	[smem:$0x3FBB] =	sst s0  }
0x18: {  	s0 =	sld [smem:$0x3F9E];
	_ =	swait.ge [sflag:s4], $0x0  }
0x19: {  	s7 =	sld [smem:$0x3F9F]  }
0x1a: {  	s8 =	sadd.s32 $0xFFFFE003, lr  }
0x1b: {  	s9 =	sadd.s32 $0xFFFFFEF7, lr;
	s5 =	simm.s32 $0xFFFFFFFF;
	p2 =	slt.u32 s8, $0xFFFFF086  }
0x1c: {  	p1 =	slt.u32 s9, $0xF7A;
	s5 =	simm.s32 @!p2 $0x0  }
0x1d: {  	s5 =	simm.s32 @p1 $0x1;
	p0 =	seq.s32 s7, s2  }
0x1e: {  	s7 =	smul.u32 @!p0 $0xF7A, s2;
	p2 =	seq.s32 @!p0 s5, $0x0  }
0x1f: {  	s9 =	smul.u32 $0xF7A, s1;
	s8 =	simm.s32 @!p0 $0x1BF5;
	p2 =	por !p2, p0  }
0x20: {  	[sflag:s8] =	ssyncset.s32 @!p0 $0xFFFFF086;
	s6 =	sadd.s32 @!p0 s3, s7;
	s7 =	simm.s32 @!p0 $0x108  }
0x21: {  	s3 =	sadd.s32 s3, s9;
	s6 =	sadd.s32 @!p0 $0x88, s6;
	s7 =	simm.s32 @p2 $0x1082  }
0x22: {  	[simem:s7], [sflag:s8] =	dma.local @!p0 [hbm:s6], $0xF7A  }
0x23: {  	s9 =	sor.u32 $0xD0000000, s2;
	s6 =	simm.s32 $0x108;
	_ =	swait.ge @!p0 [sflag:s8], $0x0  }
0x24: {  	s3 =	sadd.s32 $0x88, s3;
	s6 =	simm.s32 @!p1 $0x1082;
	[sflag:s4] =	ssyncset.s32 $0xFFFFF086  }
0x25: {  	[simem:s6], [sflag:s4] =	dma.local [hbm:s3], $0xF7A  }
0x26: {  	[smem:$0x3F9F] =	sst s1;
	(tag) =	ssettag s2;
	_ =	strace s9  }
0x27: {  	s1 =	sld [smem:$0x3FAF]  }
0x28: {  	s2 =	sld [smem:$0x3FB0]  }
0x29: {  	s4 =	sld [smem:$0x3FB2]  }
0x2a: {  	p0 =	seq.s32 s5, $0x0;
	s5 =	sld [smem:$0x3FB3]  }
0x2b: {  	s6 =	sld [smem:$0x3FB4]  }
0x2c: {  	s7 =	sld [smem:$0x3FB5]  }
0x2d: {  	s3 =	simm.s32 $0x108;
	s8 =	sld [smem:$0x3FB6]  }
0x2e: {  	s3 =	simm.s32 @!p0 $0x1082;
	s9 =	sld [smem:$0x3FB7]  }
0x2f: {  	lr =	sadd.s32 s0, s3;
	s0 =	sld [smem:$0x3FAE]  }
0x30: {  	s3 =	sld [smem:$0x3FB1]  }
0x31: {  	[smem:$0x3FBA] =	sst s10  }
0x32: {  	s10 =	sld [smem:$0x3FB8];
	_ =	sdelay $0x3  }
0x33: {  	p0 =	seq.s32 s10, $0x1;
	s10 =	sld [smem:$0x3FBA];
	_ =	sdelay $0x3  }
0x34: {  	[smem:$0x3FBA] =	sst s10  }
0x35: {  	s10 =	sld [smem:$0x3FB9];
	_ =	sdelay $0x3  }
0x36: {  	p1 =	seq.s32 s10, $0x1;
	s10 =	sld [smem:$0x3FBA];
	_ =	sdelay $0x3  }
0x37: {  	[smem:$0x3FBA] =	sst s10  }
0x38: {  	s10 =	sld [smem:$0x3FBB]  }
0x39: {  	_ = 	snop;
	(pc) =	sbr.ind lr, $3  }
0x3a: {  	_ = 	snop  }
0x3b: {  	_ = 	snop  }
0x3c: {  	p2 =	seq.s32 s10, $0x1;
	s10 =	sld [smem:$0x3FBA]  }
0x3d: {  	_ =	shalt  }
0x3e: {  	_ =	shalt  }
0x3f: {  	_ =	shalt  }
0x40: {  	_ =	shalt  }
0x41: {  	_ =	shalt  }
0x42: {  	_ =	shalt  }
0x43: {  	_ =	shalt  }
0x44: {  	_ =	shalt  }
0x45: {  	_ =	shalt  }
0x46: {  	_ =	shalt  }
0x47: {  	_ =	shalt  }
0x48: {  	_ =	shalt  }
0x49: {  	_ =	shalt  }
0x4a: {  	_ =	shalt  }
0x4b: {  	_ =	shalt  }
0x4c: {  	_ =	shalt  }
0x4d: {  	_ =	shalt  }
0x4e: {  	_ =	shalt  }
0x4f: {  	_ =	shalt  }
0x50: {  	_ =	shalt  }
0x51: {  	_ =	shalt  }
0x52: {  	_ =	shalt  }
0x53: {  	_ =	shalt  }
0x54: {  	_ =	shalt  }
0x55: {  	_ =	shalt  }
0x56: {  	_ =	shalt  }
0x57: {  	_ =	shalt  }
0x58: {  	_ =	shalt  }
0x59: {  	_ =	shalt  }
0x5a: {  	_ =	shalt  }
0x5b: {  	_ =	shalt  }
0x5c: {  	_ =	shalt  }
0x5d: {  	_ =	shalt  }
0x5e: {  	_ =	shalt  }
0x5f: {  	_ =	shalt  }
0x60: {  	_ =	shalt  }
0x61: {  	_ =	shalt  }
0x62: {  	_ =	shalt  }
0x63: {  	_ =	shalt  }
0x64: {  	_ =	shalt  }
0x65: {  	_ =	shalt  }
0x66: {  	_ =	shalt  }
0x67: {  	_ =	shalt  }
0x68: {  	_ =	shalt  }
0x69: {  	_ =	shalt  }
0x6a: {  	_ =	shalt  }
0x6b: {  	_ =	shalt  }
0x6c: {  	_ =	shalt  }
0x6d: {  	_ =	shalt  }
0x6e: {  	_ =	shalt  }
0x6f: {  	_ =	shalt  }
0x70: {  	_ =	shalt  }
0x71: {  	_ =	shalt  }
0x72: {  	_ =	shalt  }
0x73: {  	_ =	shalt  }
0x74: {  	_ =	shalt  }
0x75: {  	_ =	shalt  }
0x76: {  	_ =	shalt  }
0x77: {  	_ =	shalt  }
0x78: {  	_ =	shalt  }
0x79: {  	_ =	shalt  }
0x7a: {  	_ =	shalt  }
0x7b: {  	_ =	shalt  }
0x7c: {  	_ =	shalt  }
0x7d: {  	_ =	shalt  }
0x7e: {  	_ =	shalt  }
0x7f: {  	_ =	shalt  }
0x80: {  	_ =	shalt  }
0x81: {  	_ =	shalt  }
0x82: {  	_ =	shalt  }
0x83: {  	_ =	shalt  }
0x84: {  	_ =	shalt  }
0x85: {  	_ =	shalt  }
0x86: {  	_ =	shalt  }
0x87: {  	_ =	shalt  }
.Lfunc_end0:
.L_simem_size_0:
called_computation_lowered:
.L_overlay_start_0:
0x88: {  	s2 =	sld [smem:$0x3FD9]  }
0x89: {  	s3 =	sld [smem:$0x3FFE];
	_ =	sdelay $0x1  }
0x8a: {  	s1 =	srdreg.scid  }
0x8b: {  	s0 =	sand.u32 $0x1, s1  }
0x8c: {  	s16 =	sshll.u32 s0, $0xA;
	s2 =	sadd.s32 s3, s2  }
0x8d: {  	s2 =	sadd.s32 s2, s16  }
0x8e: {  	[smem:$0x3FC6] =	sst s2  }
0x8f: {  	_ = 	snop  }
0x90: {  	(tm) =	ssettm $0x1  }
0x91: {  	s17 =	sld [smem:$0x3FFB];
	_ =	sdelay $0x3  }
0x92: {  	_ =	strace s17  }
0x93: {  	s2 =	sld [smem:$0x3FFC];
	_ =	sdelay $0x3  }
0x94: {  	_ =	strace s2  }
0x95: {  	s2 =	sld [smem:$0x3FFD];
	_ =	sdelay $0x3  }
0x96: {  	_ =	strace s2  }
0x97: {  	_ =	strace $0x8FFFFFFF  }
0x98: {  	s18 =	sld [smem:$0x3FDB];
	_ =	sdelay $0x1  }
0x99: {  	s19 =	simm.s32 $_scs_section_size  }
0x9a: {  	s4 =	simm.s32 $_size__tile_overlayer_lowered;
	s5 =	simm.s32 $_tile_overlayer_lowered  }
0x9b: {  	s22 =	simm.s32 $0x1BFF;
	s21 =	sshll.u32 s5, $0x1;
	s2 =	sadd.s32 s19, s18  }
0x9c: {  	s6 =	simm.s32 $0x0;
	s20 =	sshll.u32 s4, $0x1;
	s4 =	sadd.s32 s21, s2  }
0x9d: {  	[timem:s6], [sflag:s22] =	dma.local [hbm:s4], s20  }
0x9e: {  	_ =	swait.ge [sflag:s22], s20  }
0x9f: {  	s3 =	ssub.s32 $0x0, s20;
	[sflag:s22] =	ssyncset.done $0x0  }
0xa0: {  	[sflag:s22] =	ssyncadd.s32 s3;
	_ =	sdelay $0x1  }
0xa1: {  	s23 =	simm.s32 $0x1B8B  }
0xa2: {  	_ =	swait.ge [sflag:s23], $0x1  }
0xa3: {  	[sflag:s23] =	ssyncset.done $0x0  }
0xa4: {  	s25 =	simm.s32 $0x1B8E;
	s24 =	sld [smem:$0x3FFE];
	[sflag:s23] =	ssyncadd.s32 $0xFFFFFFFF  }
0xa5: {  	s26 =	simm.s32 $execute0_lowered;
	[smem:$0x3FD2] =	sst s25  }
0xa6: {  	s4 =	sshll.u32 s26, $0x1;
	_ =	strace $0x80000046;
	[dreg:$0x1] =	wrdreg $0xFFFFFFFF  }
0xa7: {  	s28 =	simm.s32 $_size_execute0_lowered;
	s2 =	sadd.s32 s2, s4;
	[dreg:$0x0] =	wrdreg $0x0  }
0xa8: {  	s4 =	sshll.u32 s28, $0x1;
	[dreg:$0x2] =	wrdreg s2  }
0xa9: {  	[dreg:$0x3] =	wrdreg s4  }
0xaa: {  	[dreg:$0x4] =	wrdreg $0xC0  }
0xab: {  	_ =	task [dreg:s6], $0x5FFFF  }
0xac: {  	[dreg:$0x1] =	wrdreg $0xFFFFFFFF  }
0xad: {  	[dreg:$0x0] =	wrdreg $0x60  }
0xae: {  	[dreg:$0x2] =	wrdreg s24  }
0xaf: {  	[dreg:$0x3] =	wrdreg $0x9  }
0xb0: {  	_ =	task.clear_ibuf [dreg:s6], $0x4FFFF;
	_ =	strace $0x90000046  }
0xb1: {  	s29 =	simm.s32 $0x9;
	_ =	strace $0x80000048  }
0xb2: {  	_ =	swait.ge [sflag:s29], $0x1  }
0xb3: {  	[sflag:s29] =	ssyncadd.s32 $0xFFFFFFFF  }
0xb4: {  	_ =	strace $0x90000048  }
0xb5: {  	_ =	sfence  }
0xb6: {  	s30 =	sld [smem:$0x0];
	_ =	sdelay $0x2  }
0xb7: {  	s31 =	sshll.u32 s1, $0xD;
	s1 =	sshrl.u32 s1, $0x2  }
0xb8: {  	s3 =	sand.u32 $0x4000, s31;
	s1 =	sadd.s32 s1, s30  }
0xb9: {  	s0 =	sor.u32 s3, s0;
	s1 =	sshll.u32 s1, $0x11  }
0xba: {  	s0 =	sor.u32 s1, s0  }
0xbb: {  	s0 =	sadd.s32 $0x8F2B, s0  }
0xbc: {  	[sflag:s0] =	ssyncadd.remote.s32 $0x1  }
0xbd: {  	_ =	sfence.sel $0xFFFF  }
0xbe: {  	[dreg:$0x0] =	wrdreg $0xFFFFFFFF;
	(pc) =	sbr.abs _section_cstart, $3  }
0xbf: {  	[dreg:$0x1] =	wrdreg $0xFFFFFFFF  }
0xc0: {  	_ =	task.clear_ibuf [dreg:s6], $0x2FFFF;
	_ =	strace $0x9FFFFFFF  }
0xc1: {  	(tm) =	ssettm $0x7FFFFFFF  }
tec
execute0_lowered:
.L_overlay_start_1:
0x0: {  	(tag) =	ssettag $0x1  }
0x1: {  	s1 =	srdreg.scid  }
0x2: {  	s0 =	stileid.u32;
	s6 =	sand.u32 $0x1, s1  }
0x3: {  	s8 =	rddreg [dreg:$0x0];
	s30 =	sshll.u32 s0, $0x7;
	s2 =	sshll.u32 s6, $0x6  }
0x4: {  	s7 =	simm.s32 $0x1;
	s1 =	rddreg [dreg:$0x1];
	s9 =	sor.u32 s2, s30  }
0x5: {  	s5 =	sadd.s32 $0x1870400, s8;
	s2 =	simm.s32 $0x0;
	s3 =	sshrl.u32 s9, $0x3  }
0x6: {  	s10 =	ssub.s32 $0x2, s6;
	[smem:$0x7FF] =	sst s2;
	s3 =	sadd.s32 s3, s8  }
0x7: {  	_ =	strace $0x80000047;
	s4 =	sadd.s32 $0x30DA400, s3;
	s3 =	simm.s32 $0x2  }
0x8: {  	[tilespmem:s2], [sflag:$0x2] =	stream.linear.gather [hbm4b:s4+s2], $0x40, $0x38;
	[tilespmem:$0x440] =	vst v63  }
0x9: {  	s6 =	simm.s32 $0x40;
	s11 =	sshrl.u32 s10, $0x1;
	_ =	swait.ge [sflag:s3], $0x40  }
0xa: {  	s9 =	sshll.u32 s9, $0x1;
	s31 =	ssub.s32 s10, s11;
	[sflag:s3] =	ssyncset.done $0x0  }
0xb: {  	s8 =	sadd.s32 s9, s8;
	s9 =	smax.u32 s31, $0x1;
	[sflag:s3] =	ssyncadd.s32 $0xFFFFFFC0  }
0xc: {  	[tilespmem:s6], [sflag:$0x1] =	stream.indirect.gather [hbm4b:s5+s6], $0x10, s2, s6, $0xb8;
	[tilespmem:$0x440] =	vst v63  }
0xd: {  	p0 =	sne.s32 s9, $0x1;
	_ =	swait.ge [sflag:s7], $0x400  }
.Ltmp0:
0xe: {  	[sflag:s7] =	ssyncset.done $0x0;
	(pc) =	sbr.rel @!p0 .LBB2_2-.Ltmp0, $4  }
0xf: {  	s8 =	sadd.s32 $0x30DA600, s8;
	[sflag:s7] =	ssyncadd.s32 $0xFFFFFC00  }
0x10: {  	[hbm4b:s8+s2] =	stream.linear.scatter [tilespmem:s6], [sflag:$0x2], $0x400, $0x38;
	[tilespmem:$0x440] =	vst v63  }
0x11: {  	_ =	swait.ge [sflag:s3], $0x400  }
0x12: {  	s9 =	sadd.s32 $0xFFFFFFFF, s9;
	[sflag:s3] =	ssyncset.done $0x0  }
.LBB2_1:
0x13: {  	p0 =	sne.s32 s9, $0x1;
	s9 =	sadd.s32 $0xFFFFFFFF, s9;
	[sflag:s3] =	ssyncadd.s32 $0xFFFFFC00  }
0x14: {  	[tilespmem:s2], [sflag:$0x2] =	stream.linear.gather [hbm4b:s4+s2], $0x40, $0x38;
	[tilespmem:$0x440] =	vst v63  }
0x15: {  	_ =	swait.ge [sflag:s3], $0x40  }
0x16: {  	[sflag:s3] =	ssyncset.done $0x0  }
0x17: {  	[sflag:s3] =	ssyncadd.s32 $0xFFFFFFC0  }
0x18: {  	[tilespmem:s6], [sflag:$0x1] =	stream.indirect.gather [hbm4b:s5+s6], $0x10, s2, s6, $0xb8;
	[tilespmem:$0x440] =	vst v63  }
0x19: {  	_ =	swait.ge [sflag:s7], $0x400  }
.Ltmp1:
0x1a: {  	[sflag:s7] =	ssyncset.done $0x0;
	(pc) =	sbr.rel @p0 .LBB2_1-.Ltmp1, $4  }
0x1b: {  	[sflag:s7] =	ssyncadd.s32 $0xFFFFFC00  }
0x1c: {  	[hbm4b:s8+s2] =	stream.linear.scatter [tilespmem:s6], [sflag:$0x2], $0x400, $0x38;
	[tilespmem:$0x440] =	vst v63  }
0x1d: {  	_ =	swait.ge [sflag:s3], $0x400  }
0x1e: {  	[sflag:s3] =	ssyncset.done $0x0  }
.LBB2_2:
0x1f: {  	[sflag:s3] =	ssyncadd.s32 $0xFFFFFC00  }
0x20: {  	_ =	sfence.sel $0x180000  }
0x21: {  	[bflag:$0x0] =	sbarrier.arrive $0xFFFF  }
0x22: {  	p0 =	sne.s32 s0, $0x0;
	_ =	strace $0x90000047  }
0x23: {  	s0 =	sadd.s32 @!p0 $0x100000, s1;
	[bflag:$0x2] =	sbarrier.arrive $0xFFFF  }
0x24: {  	[sflag:s0] =	ssyncadd.tile.s32 @!p0 $0x1;
	_ =	shalt  }
.Lfunc_end2:
_tile_overlayer_lowered:
.L_overlay_start_2:
0x25: {  	(tag) =	ssettag $0x2  }
0x26: {  	s0 =	rddreg [dreg:$0x0];
	s2 =	stileid.u32  }
0x27: {  	s1 =	rddreg [dreg:$0x1];
	p0 =	sne.s32 s2, $0x0  }
0x28: {  	s3 =	rddreg [dreg:$0x2];
	[bflag:$0x3] =	sbarrier.arrive $0xFFFF;
	s2 =	simm.s32 @!p0 $0x1C02  }
0x29: {  	[timem:s3], [sflag:s2] =	dma.local @!p0 [hbm:s0], s1  }
0x2a: {  	s0 =	simm.s32 @!p0 $0x2  }
0x2b: {  	_ =	swait.ge @!p0 [sflag:s0], s1  }
0x2c: {  	s1 =	ssub.s32 @!p0 $0x0, s1;
	[sflag:s0] =	ssyncset.done @!p0 $0x0  }
0x2d: {  	[sflag:s0] =	ssyncadd.s32 @!p0 s1  }
0x2e: {  	[bflag:$0x3] =	sbarrier.arrive $0xFFFF  }
0x2f: {  	_ =	shalt  }

</sc_bundles>
